<compile_context>
chip_gen: v7x
topology: tpu7x:2x2x1
jax: 0.10.2.dev20260603
libtpu: 0.0.44.dev20260713+nightly
codegen_flags: <defaults>
</compile_context>

<pallas_src>
import jax
import jax.numpy as jnp
from jax import lax
from jax.experimental import pallas as pl
from jax.experimental.pallas import tpu as pltpu
from jax.experimental.pallas import tpu_sc as plsc

N, C = 16384, 1000
NT = 15360
BLOCK = 1280
NW = 32
SC_ROWS = N - NT
ROWS_PER_W = SC_ROWS // NW
G = 16
NGROUPS = ROWS_PER_W // G
NFULL = 62
NEG_INF = float("-inf")


def _sc_body(s_hbm, t_hbm, a_hbm, b_hbm, t_buf, s_buf, a_stage, b_stage):
    wid = lax.axis_index("s") * 2 + lax.axis_index("c")
    iota = lax.broadcasted_iota(jnp.int32, (16,), 0)
    tail_valid = iota >= 8
    zero16 = jnp.zeros((16,), jnp.float32)
    ninf16 = jnp.full((16,), NEG_INF, jnp.float32)

    def group_body(g, carry):
        out0 = wid * ROWS_PER_W + g * G
        row0 = NT + out0
        pltpu.sync_copy(t_hbm.at[pl.ds(row0, G)], t_buf)
        pltpu.sync_copy(s_hbm.at[pl.ds(row0, G)], s_buf)

        def row_body(r, vecs):
            vec_a, vec_b = vecs

            @plsc.parallel_loop(0, NFULL, unroll=4,
                                carry=(ninf16, ninf16, ninf16))
            def pA(c, acc):
                vm1, vm2, vmS = acc
                tc = t_buf[r, pl.ds(c * 16, 16)]
                sc = s_buf[r, pl.ds(c * 16, 16)]
                hi = jnp.maximum(vm1, tc)
                lo = jnp.minimum(vm1, tc)
                return (hi, jnp.maximum(vm2, lo), jnp.maximum(vmS, sc))

            vm1, vm2, vmS = pA
            t62 = jnp.where(tail_valid, t_buf[r, pl.ds(984, 16)], NEG_INF)
            s62 = jnp.where(tail_valid, s_buf[r, pl.ds(984, 16)], NEG_INF)
            hi = jnp.maximum(vm1, t62)
            vm2 = jnp.maximum(vm2, jnp.minimum(vm1, t62))
            vm1 = hi
            vmS = jnp.maximum(vmS, s62)

            m1 = jnp.max(vm1)
            mS = jnp.max(vmS)
            eql = vm1 == m1
            nl = jnp.sum(jnp.where(eql, 1.0, 0.0))
            m2l = jnp.max(jnp.where(eql, NEG_INF, vm1))
            m2 = jnp.where(nl > 1.5, m1, jnp.maximum(m2l, jnp.max(vm2)))
            gap = m1 - m2
            sharp = (gap > 0.6) & (gap <= 0.8)
            scale = jnp.where(sharp, jnp.float32(1.0 / 0.7), jnp.float32(1.0))
            mTs = m1 * scale

            @plsc.parallel_loop(0, NFULL, unroll=4,
                                carry=(zero16, zero16, zero16))
            def pB(c, acc):
                veT, vnum, veS = acc
                tc = t_buf[r, pl.ds(c * 16, 16)]
                sc = s_buf[r, pl.ds(c * 16, 16)]
                ts = tc * scale
                e = jnp.exp(ts - mTs)
                return (veT + e, vnum + e * (ts - sc), veS + jnp.exp(sc - mS))

            veT, vnum, veS = pB
            ts62 = t62 * scale
            e62 = jnp.where(tail_valid, jnp.exp(ts62 - mTs), 0.0)
            seT = jnp.sum(veT + e62)
            num = jnp.sum(vnum + jnp.where(tail_valid, e62 * (ts62 - s62), 0.0))
            seS = jnp.sum(veS + jnp.where(tail_valid, jnp.exp(s62 - mS), 0.0))

            seT16 = seT + zero16
            a_cand = (num + zero16) / seT16 - mTs + mS
            b_cand = (seS + zero16) / seT16
            return (jnp.where(iota == r, a_cand, vec_a),
                    jnp.where(iota == r, b_cand, vec_b))

        vec_a, vec_b = lax.fori_loop(0, G, row_body, (zero16, zero16))
        a_stage[...] = vec_a
        b_stage[...] = vec_b
        pltpu.sync_copy(a_stage, a_hbm.at[pl.ds(out0, G)])
        pltpu.sync_copy(b_stage, b_hbm.at[pl.ds(out0, G)])
        return carry

    lax.fori_loop(0, NGROUPS, group_body, 0)


def _sc_partials(preds_S, preds_T):
    mesh = plsc.VectorSubcoreMesh(core_axis_name="c", subcore_axis_name="s")
    return pl.kernel(
        _sc_body,
        out_type=(
            jax.ShapeDtypeStruct((SC_ROWS,), jnp.float32),
            jax.ShapeDtypeStruct((SC_ROWS,), jnp.float32),
        ),
        mesh=mesh,
        compiler_params=pltpu.CompilerParams(needs_layout_passes=False),
        cost_estimate=pl.CostEstimate(
            flops=SC_ROWS * C * 12,
            transcendentals=SC_ROWS * C * 2,
            bytes_accessed=SC_ROWS * C * 8,
        ),
        scratch_types=[
            pltpu.VMEM((G, C), jnp.float32),
            pltpu.VMEM((G, C), jnp.float32),
            pltpu.VMEM((16,), jnp.float32),
            pltpu.VMEM((16,), jnp.float32),
        ],
    )(preds_S, preds_T)


def _kl_block(s_ref, t_ref, out_ref):
    t = t_ref[...]
    s = s_ref[...]

    m1 = jnp.max(t, axis=1, keepdims=True)
    eq = t == m1
    dup = jnp.sum(eq.astype(jnp.float32), axis=1, keepdims=True) > 1.5
    m2 = jnp.max(jnp.where(eq, -jnp.inf, t), axis=1, keepdims=True)
    gap = m1 - m2
    sharp = (gap > 0.6) & (gap <= 0.8) & jnp.logical_not(dup)
    scale = jnp.where(sharp, 1.0 / 0.7, 1.0)

    ts = t * scale
    mT = m1 * scale
    eT = jnp.exp(ts - mT)
    seT = jnp.sum(eT, axis=1, keepdims=True)
    num = jnp.sum(eT * (ts - s), axis=1, keepdims=True)

    mS = jnp.max(s, axis=1, keepdims=True)
    seS = jnp.sum(jnp.exp(s - mS), axis=1, keepdims=True)

    rowsum = num / seT - mT - jnp.log(seT) + mS + jnp.log(seS)
    total = jnp.sum(rowsum)

    @pl.when(pl.program_id(0) == 0)
    def _():
        out_ref[0, 0] = 0.0

    out_ref[0, 0] += total


def _tc_partial(preds_S, preds_T):
    return pl.pallas_call(
        _kl_block,
        grid=(NT // BLOCK,),
        in_specs=[
            pl.BlockSpec((BLOCK, C), lambda i: (i, 0)),
            pl.BlockSpec((BLOCK, C), lambda i: (i, 0)),
        ],
        out_specs=pl.BlockSpec(memory_space=pltpu.SMEM),
        out_shape=jax.ShapeDtypeStruct((1, 1), jnp.float32),
    )(preds_S, preds_T)


def _finish_block(p_ref, a_ref, b_ref, out_ref):
    out_ref[0, 0] = (p_ref[0, 0]
                     + jnp.sum(a_ref[...] + jnp.log(b_ref[...]))) * (1.0 / N)


def _finish(partial, a, b):
    out = pl.pallas_call(
        _finish_block,
        in_specs=[
            pl.BlockSpec(memory_space=pltpu.SMEM),
            pl.BlockSpec((SC_ROWS // 128, 128), lambda: (0, 0)),
            pl.BlockSpec((SC_ROWS // 128, 128), lambda: (0, 0)),
        ],
        out_specs=pl.BlockSpec(memory_space=pltpu.SMEM),
        out_shape=jax.ShapeDtypeStruct((1, 1), jnp.float32),
    )(partial, a.reshape(SC_ROWS // 128, 128), b.reshape(SC_ROWS // 128, 128))
    return out[0, 0]


@jax.jit
def kernel(preds_S, preds_T):
    a, b = _sc_partials(preds_S, preds_T)
    partial = _tc_partial(preds_S, preds_T)
    return _finish(partial, a, b)

# --- scband reference (transcript-rebuilt; emitter-appended) ---
"""Pipeline reference for scband-kldivergence-5480378270082 (READ-ONLY COPY).

The authoritative reference and input builder live on the scoring server;
editing this copy changes nothing except your own understanding.
"""

import jax, jax.numpy as jnp
import numpy as np

N, C = 16384, 1000
TAU_T = 1.0
TAU_S = 1.0
LOSS_WEIGHT = 1.0

def setup_inputs(seed: int = 0) -> dict:
    key = jax.random.key(seed)
    k1, k2 = jax.random.split(key)
    preds_S = jax.random.normal(k1, (N, C), dtype=jnp.float32)
    preds_T = jax.random.normal(k2, (N, C), dtype=jnp.float32)
    return {"preds_S": preds_S, "preds_T": preds_T}

def reference(preds_S, preds_T):
    # teacher_detach=True
    preds_T = jax.lax.stop_gradient(preds_T)
    # top-2 over class dim; confidence-gap based temperature sharpening
    max_values, _ = jax.lax.top_k(preds_T, 2)
    diff = max_values[:, 0] - max_values[:, 1]
    mask = (diff > 0.6) & (diff <= 0.8)
    # rows whose top-2 gap falls in (0.6, 0.8] are divided by 0.7
    preds_T = jnp.where(mask[:, None], preds_T / 0.7, preds_T)
    softmax_pred_T = jax.nn.softmax(preds_T / TAU_T, axis=1)
    logsoftmax_preds_S = jax.nn.log_softmax(preds_S / TAU_S, axis=1)
    # F.kl_div(input=log q, target=p, reduction='batchmean') = sum(p*(log p - log q)) / N
    pointwise = softmax_pred_T * (jnp.log(softmax_pred_T) - logsoftmax_preds_S)
    loss = jnp.sum(pointwise) / preds_S.shape[0]
    return LOSS_WEIGHT * (TAU_S ** 2) * loss

if __name__ == "__main__":
    import jax
    _d = setup_inputs()
    print(jax.jit(kernel)(*tuple(_d.values())))

</pallas_src>

<mosaic_0001>
#map = affine_map<(d0, d1) -> (0, 0)>
#map1 = affine_map<(d0, d1) -> (0)>
module attributes {stable_mosaic.version = 14 : i64} {
  func.func @_sc_body(%arg0: i32, %arg1: i32, %arg2: memref<16384x1000xf32, #tpu.memory_space<hbm>>, %arg3: memref<16384x1000xf32, #tpu.memory_space<hbm>>, %arg4: memref<1024xf32, #tpu.memory_space<hbm>>, %arg5: memref<1024xf32, #tpu.memory_space<hbm>>, %arg6: memref<16x1000xf32, #tpu.memory_space<vmem>>, %arg7: memref<16x1000xf32, #tpu.memory_space<vmem>>, %arg8: memref<16xf32, #tpu.memory_space<vmem>>, %arg9: memref<16xf32, #tpu.memory_space<vmem>>) attributes {dimension_semantics = [#tpu.dimension_semantics<core_parallel>, #tpu.dimension_semantics<subcore_parallel>], iteration_bounds = array<i64: 2, 16>, scalar_prefetch = 0 : i64, scratch_operands = 4 : i64, tpu.core_type = #tpu.core_type<sc_vector_subcore>, window_params = [{transform_indices = #map}, {transform_indices = #map}, {transform_indices = #map1}, {transform_indices = #map1}]} {
    %mul3A = arith.constant 2 : i32
    %mul3A_0 = arith.muli %arg1, %mul3A : i32
    %add3A = arith.addi %mul3A_0, %arg0 : i32
    %iota3A = tpu.iota {dimensions = array<i32: 0>} : vector<16xi32>
    %ge3A = arith.constant 8 : i32
    %ge3A_1 = vector.broadcast %ge3A : i32 to vector<16xi32>
    %ge3A_2 = arith.cmpi sge, %iota3A, %ge3A_1 : vector<16xi32>
    %broadcast_in_dim3A = arith.constant 0.000000e+00 : f32
    %broadcast_in_dim3A_3 = vector.broadcast %broadcast_in_dim3A : f32 to vector<16xf32>
    %broadcast_in_dim3A_4 = arith.constant 0xFF800000 : f32
    %broadcast_in_dim3A_5 = vector.broadcast %broadcast_in_dim3A_4 : f32 to vector<16xf32>
    %scan3A = arith.constant 0 : i32
    %scan3A_6 = arith.constant 0 : i32
    %scan3A_7 = arith.constant 2 : i32
    %scan3A_8 = arith.addi %scan3A_6, %scan3A_7 : i32
    %scan3A_9 = arith.constant 1 : i32
    scf.for %scan3A_11 = %scan3A_6 to %scan3A_8 step %scan3A_9  : i32 {
      %mul3A_12 = arith.constant 32 : i32
      %mul3A_13 = arith.muli %add3A, %mul3A_12 : i32
      %mul3A_14 = arith.constant 16 : i32
      %mul3A_15 = arith.muli %scan3A_11, %mul3A_14 : i32
      %add3A_16 = arith.addi %mul3A_13, %mul3A_15 : i32
      %add3A_17 = arith.constant 15360 : i32
      %add3A_18 = arith.addi %add3A_17, %add3A_16 : i32
      "tpu.region"() ({
        %run_scoped3A = tpu.sem_alloc : memref<!tpu.dma_semaphore, #tpu.memory_space<semaphore_mem>>
        %dma_start3A = arith.constant 0 : i32
        %dma_start3A_28 = tpu.memref_slice %arg3[%add3A_18, %dma_start3A] : memref<16384x1000xf32, #tpu.memory_space<hbm>> -> memref<16x1000xf32, #tpu.memory_space<hbm>>
        %dma_start3A_29 = arith.constant 0 : i32
        %dma_start3A_30 = tpu.memref_slice %arg3[%add3A_18, %dma_start3A_29] : memref<16384x1000xf32, #tpu.memory_space<hbm>> -> memref<16x1000xf32, #tpu.memory_space<hbm>>
        tpu.enqueue_dma source(%dma_start3A_30 : memref<16x1000xf32, #tpu.memory_space<hbm>>) target(%arg6 : memref<16x1000xf32, #tpu.memory_space<vmem>>) target_semaphore(%run_scoped3A : memref<!tpu.dma_semaphore, #tpu.memory_space<semaphore_mem>>)
        %dma_wait3A = arith.constant 0 : i32
        %dma_wait3A_31 = tpu.memref_slice %arg3[%add3A_18, %dma_wait3A] : memref<16384x1000xf32, #tpu.memory_space<hbm>> -> memref<16x1000xf32, #tpu.memory_space<hbm>>
        %dma_wait3A_32 = arith.constant 0 : i32
        %dma_wait3A_33 = tpu.memref_slice %arg3[%add3A_18, %dma_wait3A_32] : memref<16384x1000xf32, #tpu.memory_space<hbm>> -> memref<16x1000xf32, #tpu.memory_space<hbm>>
        tpu.wait_dma2 semaphore(%run_scoped3A : memref<!tpu.dma_semaphore, #tpu.memory_space<semaphore_mem>>) src(%dma_wait3A_33 : memref<16x1000xf32, #tpu.memory_space<hbm>>) dst(%arg6 : memref<16x1000xf32, #tpu.memory_space<vmem>>)
        tpu.yield
      }) : () -> ()
      "tpu.region"() ({
        %run_scoped3A = tpu.sem_alloc : memref<!tpu.dma_semaphore, #tpu.memory_space<semaphore_mem>>
        %dma_start3A = arith.constant 0 : i32
        %dma_start3A_28 = tpu.memref_slice %arg2[%add3A_18, %dma_start3A] : memref<16384x1000xf32, #tpu.memory_space<hbm>> -> memref<16x1000xf32, #tpu.memory_space<hbm>>
        %dma_start3A_29 = arith.constant 0 : i32
        %dma_start3A_30 = tpu.memref_slice %arg2[%add3A_18, %dma_start3A_29] : memref<16384x1000xf32, #tpu.memory_space<hbm>> -> memref<16x1000xf32, #tpu.memory_space<hbm>>
        tpu.enqueue_dma source(%dma_start3A_30 : memref<16x1000xf32, #tpu.memory_space<hbm>>) target(%arg7 : memref<16x1000xf32, #tpu.memory_space<vmem>>) target_semaphore(%run_scoped3A : memref<!tpu.dma_semaphore, #tpu.memory_space<semaphore_mem>>)
        %dma_wait3A = arith.constant 0 : i32
        %dma_wait3A_31 = tpu.memref_slice %arg2[%add3A_18, %dma_wait3A] : memref<16384x1000xf32, #tpu.memory_space<hbm>> -> memref<16x1000xf32, #tpu.memory_space<hbm>>
        %dma_wait3A_32 = arith.constant 0 : i32
        %dma_wait3A_33 = tpu.memref_slice %arg2[%add3A_18, %dma_wait3A_32] : memref<16384x1000xf32, #tpu.memory_space<hbm>> -> memref<16x1000xf32, #tpu.memory_space<hbm>>
        tpu.wait_dma2 semaphore(%run_scoped3A : memref<!tpu.dma_semaphore, #tpu.memory_space<semaphore_mem>>) src(%dma_wait3A_33 : memref<16x1000xf32, #tpu.memory_space<hbm>>) dst(%arg7 : memref<16x1000xf32, #tpu.memory_space<vmem>>)
        tpu.yield
      }) : () -> ()
      %scan3A_19 = arith.constant 0 : i32
      %scan3A_20 = arith.constant 16 : i32
      %scan3A_21 = arith.addi %scan3A_19, %scan3A_20 : i32
      %scan3A_22 = arith.constant 1 : i32
      %scan3A_23:2 = scf.for %scan3A_28 = %scan3A_19 to %scan3A_21 step %scan3A_22 iter_args(%scan3A_29 = %broadcast_in_dim3A_3, %scan3A_30 = %broadcast_in_dim3A_3) -> (vector<16xf32>, vector<16xf32>)  : i32 {
        %parallel_loop3A = arith.constant 0 : i32
        %parallel_loop3A_31 = arith.constant 62 : i32
        %parallel_loop3A_32 = arith.constant 1 : i32
        %parallel_loop3A_33:3 = scf.for %parallel_loop3A_136 = %parallel_loop3A to %parallel_loop3A_31 step %parallel_loop3A_32 iter_args(%parallel_loop3A_137 = %broadcast_in_dim3A_5, %parallel_loop3A_138 = %broadcast_in_dim3A_5, %parallel_loop3A_139 = %broadcast_in_dim3A_5) -> (vector<16xf32>, vector<16xf32>, vector<16xf32>)  : i32 {
          %parallel_loop3A_140 = arith.constant 16 : i32
          %parallel_loop3A_141 = arith.muli %parallel_loop3A_136, %parallel_loop3A_140 : i32
          %parallel_loop3A_142 = arith.index_cast %scan3A_28 : i32 to index
          %parallel_loop3A_143 = arith.index_cast %parallel_loop3A_141 : i32 to index
          %parallel_loop3A_144 = tpu.vector_load %arg6[%parallel_loop3A_142, %parallel_loop3A_143] {strides = array<i32>} : memref<16x1000xf32, #tpu.memory_space<vmem>>, vector<16xf32>,
          %parallel_loop3A_145 = arith.constant 16 : i32
          %parallel_loop3A_146 = arith.muli %parallel_loop3A_136, %parallel_loop3A_145 : i32
          %parallel_loop3A_147 = arith.index_cast %scan3A_28 : i32 to index
          %parallel_loop3A_148 = arith.index_cast %parallel_loop3A_146 : i32 to index
          %parallel_loop3A_149 = tpu.vector_load %arg7[%parallel_loop3A_147, %parallel_loop3A_148] {strides = array<i32>} : memref<16x1000xf32, #tpu.memory_space<vmem>>, vector<16xf32>,
          %parallel_loop3A_150 = arith.maximumf %parallel_loop3A_137, %parallel_loop3A_144 : vector<16xf32>
          %parallel_loop3A_151 = arith.minimumf %parallel_loop3A_137, %parallel_loop3A_144 : vector<16xf32>
          %parallel_loop3A_152 = arith.maximumf %parallel_loop3A_138, %parallel_loop3A_151 : vector<16xf32>
          %parallel_loop3A_153 = arith.maximumf %parallel_loop3A_139, %parallel_loop3A_149 : vector<16xf32>
          scf.yield %parallel_loop3A_150, %parallel_loop3A_152, %parallel_loop3A_153 : vector<16xf32>, vector<16xf32>, vector<16xf32>
        } {sc.loop_unroll_factor = 4 : i64, sc.parallel_access}
        %get3A = arith.index_cast %scan3A_28 : i32 to index
        %get3A_34 = arith.constant 984 : index
        %get3A_35 = tpu.vector_load %arg6[%get3A, %get3A_34] {strides = array<i32>} : memref<16x1000xf32, #tpu.memory_space<vmem>>, vector<16xf32>,
        %jit3A = arith.constant 0xFF800000 : f32
        %broadcast_in_dim3A_36 = vector.broadcast %jit3A : f32 to vector<16xf32>
        %select_n3A = arith.select %ge3A_2, %get3A_35, %broadcast_in_dim3A_36 : vector<16xi1>, vector<16xf32>
        %get3A_37 = arith.index_cast %scan3A_28 : i32 to index
        %get3A_38 = arith.constant 984 : index
        %get3A_39 = tpu.vector_load %arg7[%get3A_37, %get3A_38] {strides = array<i32>} : memref<16x1000xf32, #tpu.memory_space<vmem>>, vector<16xf32>,
        %jit3A_40 = arith.constant 0xFF800000 : f32
        %broadcast_in_dim3A_41 = vector.broadcast %jit3A_40 : f32 to vector<16xf32>
        %select_n3A_42 = arith.select %ge3A_2, %get3A_39, %broadcast_in_dim3A_41 : vector<16xi1>, vector<16xf32>
        %max3A = arith.maximumf %parallel_loop3A_33#0, %select_n3A : vector<16xf32>
        %min3A = arith.minimumf %parallel_loop3A_33#0, %select_n3A : vector<16xf32>
        %max3A_43 = arith.maximumf %parallel_loop3A_33#1, %min3A : vector<16xf32>
        %max3A_44 = arith.maximumf %parallel_loop3A_33#2, %select_n3A_42 : vector<16xf32>
        %reduce_max3A = arith.constant true
        %reduce_max3A_45 = vector.broadcast %reduce_max3A : i1 to vector<16xi1>
        %reduce_max3A_46 = tpu.scan <max>, %max3A masked %reduce_max3A_45 : vector<16xf32>, vector<16xi1> -> vector<16xf32>
        %reduce_max3A_47 = vector.extract %reduce_max3A_46[15] : f32 from vector<16xf32>
        %reduce_max3A_48 = arith.constant true
        %reduce_max3A_49 = vector.broadcast %reduce_max3A_48 : i1 to vector<16xi1>
        %reduce_max3A_50 = tpu.scan <max>, %max3A_44 masked %reduce_max3A_49 : vector<16xf32>, vector<16xi1> -> vector<16xf32>
        %reduce_max3A_51 = vector.extract %reduce_max3A_50[15] : f32 from vector<16xf32>
        %eq3A = vector.broadcast %reduce_max3A_47 : f32 to vector<16xf32>
        %eq3A_52 = arith.cmpf oeq, %max3A, %eq3A : vector<16xf32>
        %jit3A_53 = arith.constant 1.000000e+00 : f32
        %jit3A_54 = arith.constant 0.000000e+00 : f32
        %broadcast_in_dim3A_55 = vector.broadcast %jit3A_53 : f32 to vector<16xf32>
        %broadcast_in_dim3A_56 = vector.broadcast %jit3A_54 : f32 to vector<16xf32>
        %select_n3A_57 = arith.select %eq3A_52, %broadcast_in_dim3A_55, %broadcast_in_dim3A_56 : vector<16xi1>, vector<16xf32>
        %reduce_sum3A = arith.constant true
        %reduce_sum3A_58 = vector.broadcast %reduce_sum3A : i1 to vector<16xi1>
        %reduce_sum3A_59 = tpu.scan <sum>, %select_n3A_57 masked %reduce_sum3A_58 : vector<16xf32>, vector<16xi1> -> vector<16xf32>
        %reduce_sum3A_60 = vector.extract %reduce_sum3A_59[15] : f32 from vector<16xf32>
        %jit3A_61 = arith.constant 0xFF800000 : f32
        %broadcast_in_dim3A_62 = vector.broadcast %jit3A_61 : f32 to vector<16xf32>
        %select_n3A_63 = arith.select %eq3A_52, %broadcast_in_dim3A_62, %max3A : vector<16xi1>, vector<16xf32>
        %reduce_max3A_64 = arith.constant true
        %reduce_max3A_65 = vector.broadcast %reduce_max3A_64 : i1 to vector<16xi1>
        %reduce_max3A_66 = tpu.scan <max>, %select_n3A_63 masked %reduce_max3A_65 : vector<16xf32>, vector<16xi1> -> vector<16xf32>
        %reduce_max3A_67 = vector.extract %reduce_max3A_66[15] : f32 from vector<16xf32>
        %gt3A = arith.constant 1.500000e+00 : f32
        %gt3A_68 = arith.cmpf ogt, %reduce_sum3A_60, %gt3A : f32
        %reduce_max3A_69 = arith.constant true
        %reduce_max3A_70 = vector.broadcast %reduce_max3A_69 : i1 to vector<16xi1>
        %reduce_max3A_71 = tpu.scan <max>, %max3A_43 masked %reduce_max3A_70 : vector<16xf32>, vector<16xi1> -> vector<16xf32>
        %reduce_max3A_72 = vector.extract %reduce_max3A_71[15] : f32 from vector<16xf32>
        %max3A_73 = arith.maximumf %reduce_max3A_67, %reduce_max3A_72 : f32
        %select_n3A_74 = arith.select %gt3A_68, %reduce_max3A_47, %max3A_73 : f32
        %sub3A = arith.subf %reduce_max3A_47, %select_n3A_74 : f32
        %gt3A_75 = arith.constant 6.000000e-01 : f32
        %gt3A_76 = arith.cmpf ogt, %sub3A, %gt3A_75 : f32
        %le3A = arith.constant 8.000000e-01 : f32
        %le3A_77 = arith.cmpf ole, %sub3A, %le3A : f32
        %and3A = arith.andi %gt3A_76, %le3A_77 : i1
        %jit3A_78 = arith.constant 1.42857146 : f32
        %jit3A_79 = arith.constant 1.000000e+00 : f32
        %select_n3A_80 = arith.select %and3A, %jit3A_78, %jit3A_79 : f32
        %mul3A_81 = arith.mulf %reduce_max3A_47, %select_n3A_80 : f32
        %parallel_loop3A_82 = arith.constant 0 : i32
        %parallel_loop3A_83 = arith.constant 62 : i32
        %parallel_loop3A_84 = arith.constant 1 : i32
        %parallel_loop3A_85:3 = scf.for %parallel_loop3A_136 = %parallel_loop3A_82 to %parallel_loop3A_83 step %parallel_loop3A_84 iter_args(%parallel_loop3A_137 = %broadcast_in_dim3A_3, %parallel_loop3A_138 = %broadcast_in_dim3A_3, %parallel_loop3A_139 = %broadcast_in_dim3A_3) -> (vector<16xf32>, vector<16xf32>, vector<16xf32>)  : i32 {
          %parallel_loop3A_140 = arith.constant 16 : i32
          %parallel_loop3A_141 = arith.muli %parallel_loop3A_136, %parallel_loop3A_140 : i32
          %parallel_loop3A_142 = arith.index_cast %scan3A_28 : i32 to index
          %parallel_loop3A_143 = arith.index_cast %parallel_loop3A_141 : i32 to index
          %parallel_loop3A_144 = tpu.vector_load %arg6[%parallel_loop3A_142, %parallel_loop3A_143] {strides = array<i32>} : memref<16x1000xf32, #tpu.memory_space<vmem>>, vector<16xf32>,
          %parallel_loop3A_145 = arith.constant 16 : i32
          %parallel_loop3A_146 = arith.muli %parallel_loop3A_136, %parallel_loop3A_145 : i32
          %parallel_loop3A_147 = arith.index_cast %scan3A_28 : i32 to index
          %parallel_loop3A_148 = arith.index_cast %parallel_loop3A_146 : i32 to index
          %parallel_loop3A_149 = tpu.vector_load %arg7[%parallel_loop3A_147, %parallel_loop3A_148] {strides = array<i32>} : memref<16x1000xf32, #tpu.memory_space<vmem>>, vector<16xf32>,
          %parallel_loop3A_150 = vector.broadcast %select_n3A_80 : f32 to vector<16xf32>
          %parallel_loop3A_151 = arith.mulf %parallel_loop3A_144, %parallel_loop3A_150 : vector<16xf32>
          %parallel_loop3A_152 = vector.broadcast %mul3A_81 : f32 to vector<16xf32>
          %parallel_loop3A_153 = arith.subf %parallel_loop3A_151, %parallel_loop3A_152 : vector<16xf32>
          %parallel_loop3A_154 = math.exp %parallel_loop3A_153 : vector<16xf32>
          %parallel_loop3A_155 = arith.addf %parallel_loop3A_137, %parallel_loop3A_154 : vector<16xf32>
          %parallel_loop3A_156 = arith.subf %parallel_loop3A_151, %parallel_loop3A_149 : vector<16xf32>
          %parallel_loop3A_157 = arith.mulf %parallel_loop3A_154, %parallel_loop3A_156 : vector<16xf32>
          %parallel_loop3A_158 = arith.addf %parallel_loop3A_138, %parallel_loop3A_157 : vector<16xf32>
          %parallel_loop3A_159 = vector.broadcast %reduce_max3A_51 : f32 to vector<16xf32>
          %parallel_loop3A_160 = arith.subf %parallel_loop3A_149, %parallel_loop3A_159 : vector<16xf32>
          %parallel_loop3A_161 = math.exp %parallel_loop3A_160 : vector<16xf32>
          %parallel_loop3A_162 = arith.addf %parallel_loop3A_139, %parallel_loop3A_161 : vector<16xf32>
          scf.yield %parallel_loop3A_155, %parallel_loop3A_158, %parallel_loop3A_162 : vector<16xf32>, vector<16xf32>, vector<16xf32>
        } {sc.loop_unroll_factor = 4 : i64, sc.parallel_access}
        %mul3A_86 = vector.broadcast %select_n3A_80 : f32 to vector<16xf32>
        %mul3A_87 = arith.mulf %select_n3A, %mul3A_86 : vector<16xf32>
        %sub3A_88 = vector.broadcast %mul3A_81 : f32 to vector<16xf32>
        %sub3A_89 = arith.subf %mul3A_87, %sub3A_88 : vector<16xf32>
        %exp3A = math.exp %sub3A_89 : vector<16xf32>
        %jit3A_90 = arith.constant 0.000000e+00 : f32
        %broadcast_in_dim3A_91 = vector.broadcast %jit3A_90 : f32 to vector<16xf32>
        %select_n3A_92 = arith.select %ge3A_2, %exp3A, %broadcast_in_dim3A_91 : vector<16xi1>, vector<16xf32>
        %add3A_93 = arith.addf %parallel_loop3A_85#0, %select_n3A_92 : vector<16xf32>
        %reduce_sum3A_94 = arith.constant true
        %reduce_sum3A_95 = vector.broadcast %reduce_sum3A_94 : i1 to vector<16xi1>
        %reduce_sum3A_96 = tpu.scan <sum>, %add3A_93 masked %reduce_sum3A_95 : vector<16xf32>, vector<16xi1> -> vector<16xf32>
        %reduce_sum3A_97 = vector.extract %reduce_sum3A_96[15] : f32 from vector<16xf32>
        %sub3A_98 = arith.subf %mul3A_87, %select_n3A_42 : vector<16xf32>
        %mul3A_99 = arith.mulf %select_n3A_92, %sub3A_98 : vector<16xf32>
        %jit3A_100 = arith.constant 0.000000e+00 : f32
        %broadcast_in_dim3A_101 = vector.broadcast %jit3A_100 : f32 to vector<16xf32>
        %select_n3A_102 = arith.select %ge3A_2, %mul3A_99, %broadcast_in_dim3A_101 : vector<16xi1>, vector<16xf32>
        %add3A_103 = arith.addf %parallel_loop3A_85#1, %select_n3A_102 : vector<16xf32>
        %reduce_sum3A_104 = arith.constant true
        %reduce_sum3A_105 = vector.broadcast %reduce_sum3A_104 : i1 to vector<16xi1>
        %reduce_sum3A_106 = tpu.scan <sum>, %add3A_103 masked %reduce_sum3A_105 : vector<16xf32>, vector<16xi1> -> vector<16xf32>
        %reduce_sum3A_107 = vector.extract %reduce_sum3A_106[15] : f32 from vector<16xf32>
        %sub3A_108 = vector.broadcast %reduce_max3A_51 : f32 to vector<16xf32>
        %sub3A_109 = arith.subf %select_n3A_42, %sub3A_108 : vector<16xf32>
        %exp3A_110 = math.exp %sub3A_109 : vector<16xf32>
        %jit3A_111 = arith.constant 0.000000e+00 : f32
        %broadcast_in_dim3A_112 = vector.broadcast %jit3A_111 : f32 to vector<16xf32>
        %select_n3A_113 = arith.select %ge3A_2, %exp3A_110, %broadcast_in_dim3A_112 : vector<16xi1>, vector<16xf32>
        %add3A_114 = arith.addf %parallel_loop3A_85#2, %select_n3A_113 : vector<16xf32>
        %reduce_sum3A_115 = arith.constant true
        %reduce_sum3A_116 = vector.broadcast %reduce_sum3A_115 : i1 to vector<16xi1>
        %reduce_sum3A_117 = tpu.scan <sum>, %add3A_114 masked %reduce_sum3A_116 : vector<16xf32>, vector<16xi1> -> vector<16xf32>
        %reduce_sum3A_118 = vector.extract %reduce_sum3A_117[15] : f32 from vector<16xf32>
        %add3A_119 = vector.broadcast %reduce_sum3A_97 : f32 to vector<16xf32>
        %add3A_120 = arith.addf %add3A_119, %broadcast_in_dim3A_3 : vector<16xf32>
        %add3A_121 = vector.broadcast %reduce_sum3A_107 : f32 to vector<16xf32>
        %add3A_122 = arith.addf %add3A_121, %broadcast_in_dim3A_3 : vector<16xf32>
        %div3A = arith.divf %add3A_122, %add3A_120 : vector<16xf32>
        %sub3A_123 = vector.broadcast %mul3A_81 : f32 to vector<16xf32>
        %sub3A_124 = arith.subf %div3A, %sub3A_123 : vector<16xf32>
        %add3A_125 = vector.broadcast %reduce_max3A_51 : f32 to vector<16xf32>
        %add3A_126 = arith.addf %sub3A_124, %add3A_125 : vector<16xf32>
        %add3A_127 = vector.broadcast %reduce_sum3A_118 : f32 to vector<16xf32>
        %add3A_128 = arith.addf %add3A_127, %broadcast_in_dim3A_3 : vector<16xf32>
        %div3A_129 = arith.divf %add3A_128, %add3A_120 : vector<16xf32>
        %eq3A_130 = vector.broadcast %scan3A_28 : i32 to vector<16xi32>
        %eq3A_131 = arith.cmpi eq, %iota3A, %eq3A_130 : vector<16xi32>
        %select_n3A_132 = arith.select %eq3A_131, %add3A_126, %scan3A_29 : vector<16xi1>, vector<16xf32>
        %eq3A_133 = vector.broadcast %scan3A_28 : i32 to vector<16xi32>
        %eq3A_134 = arith.cmpi eq, %iota3A, %eq3A_133 : vector<16xi32>
        %select_n3A_135 = arith.select %eq3A_134, %div3A_129, %scan3A_30 : vector<16xi1>, vector<16xf32>
        scf.yield %select_n3A_132, %select_n3A_135 : vector<16xf32>, vector<16xf32>
      }
      %scan3A_24 = arith.constant 16 : i32
      %swap3A = arith.constant 0 : index
      %swap3A_25 = tpu.vector_load %arg8[%swap3A] {strides = array<i32>} : memref<16xf32, #tpu.memory_space<vmem>>, vector<16xf32>,
      tpu.vector_store %arg8[%swap3A], %scan3A_23#0 {strides = array<i32>} : memref<16xf32, #tpu.memory_space<vmem>>, vector<16xf32>,
      %swap3A_26 = arith.constant 0 : index
      %swap3A_27 = tpu.vector_load %arg9[%swap3A_26] {strides = array<i32>} : memref<16xf32, #tpu.memory_space<vmem>>, vector<16xf32>,
      tpu.vector_store %arg9[%swap3A_26], %scan3A_23#1 {strides = array<i32>} : memref<16xf32, #tpu.memory_space<vmem>>, vector<16xf32>,
      "tpu.region"() ({
        %run_scoped3A = tpu.sem_alloc : memref<!tpu.dma_semaphore, #tpu.memory_space<semaphore_mem>>
        %dma_start3A = tpu.memref_slice %arg4[%add3A_16] : memref<1024xf32, #tpu.memory_space<hbm>> -> memref<16xf32, #tpu.memory_space<hbm>>
        %dma_start3A_28 = tpu.memref_slice %arg4[%add3A_16] : memref<1024xf32, #tpu.memory_space<hbm>> -> memref<16xf32, #tpu.memory_space<hbm>>
        tpu.enqueue_dma source(%arg8 : memref<16xf32, #tpu.memory_space<vmem>>) target(%dma_start3A_28 : memref<16xf32, #tpu.memory_space<hbm>>) target_semaphore(%run_scoped3A : memref<!tpu.dma_semaphore, #tpu.memory_space<semaphore_mem>>)
        %dma_wait3A = tpu.memref_slice %arg4[%add3A_16] : memref<1024xf32, #tpu.memory_space<hbm>> -> memref<16xf32, #tpu.memory_space<hbm>>
        %dma_wait3A_29 = tpu.memref_slice %arg4[%add3A_16] : memref<1024xf32, #tpu.memory_space<hbm>> -> memref<16xf32, #tpu.memory_space<hbm>>
        tpu.wait_dma2 semaphore(%run_scoped3A : memref<!tpu.dma_semaphore, #tpu.memory_space<semaphore_mem>>) src(%arg8 : memref<16xf32, #tpu.memory_space<vmem>>) dst(%dma_wait3A_29 : memref<16xf32, #tpu.memory_space<hbm>>)
        tpu.yield
      }) : () -> ()
      "tpu.region"() ({
        %run_scoped3A = tpu.sem_alloc : memref<!tpu.dma_semaphore, #tpu.memory_space<semaphore_mem>>
        %dma_start3A = tpu.memref_slice %arg5[%add3A_16] : memref<1024xf32, #tpu.memory_space<hbm>> -> memref<16xf32, #tpu.memory_space<hbm>>
        %dma_start3A_28 = tpu.memref_slice %arg5[%add3A_16] : memref<1024xf32, #tpu.memory_space<hbm>> -> memref<16xf32, #tpu.memory_space<hbm>>
        tpu.enqueue_dma source(%arg9 : memref<16xf32, #tpu.memory_space<vmem>>) target(%dma_start3A_28 : memref<16xf32, #tpu.memory_space<hbm>>) target_semaphore(%run_scoped3A : memref<!tpu.dma_semaphore, #tpu.memory_space<semaphore_mem>>)
        %dma_wait3A = tpu.memref_slice %arg5[%add3A_16] : memref<1024xf32, #tpu.memory_space<hbm>> -> memref<16xf32, #tpu.memory_space<hbm>>
        %dma_wait3A_29 = tpu.memref_slice %arg5[%add3A_16] : memref<1024xf32, #tpu.memory_space<hbm>> -> memref<16xf32, #tpu.memory_space<hbm>>
        tpu.wait_dma2 semaphore(%run_scoped3A : memref<!tpu.dma_semaphore, #tpu.memory_space<semaphore_mem>>) src(%arg9 : memref<16xf32, #tpu.memory_space<vmem>>) dst(%dma_wait3A_29 : memref<16xf32, #tpu.memory_space<hbm>>)
        tpu.yield
      }) : () -> ()
    }
    %scan3A_10 = arith.constant 2 : i32
    return
  }
}

module attributes {stable_mosaic.version = 14 : i64} {
  func.func @_finish_block(%arg0: memref<1x1xf32, #tpu.memory_space<smem>>, %arg1: memref<8x128xf32, #tpu.memory_space<vmem>>, %arg2: memref<8x128xf32, #tpu.memory_space<vmem>>, %arg3: memref<1x1xf32, #tpu.memory_space<smem>>) attributes {dimension_semantics = [], scalar_prefetch = 0 : i64, scratch_operands = 0 : i64, tpu.core_type = #tpu.core_type<tc>} {
    %get3A = arith.constant 0 : index
    %get3A_0 = arith.constant 0 : index
    %get3A_1 = memref.load %arg0[%get3A, %get3A_0] : memref<1x1xf32, #tpu.memory_space<smem>>
    %get3A_2 = arith.constant 0 : index
    %get3A_3 = arith.constant 0 : index
    %get3A_4 = vector.load %arg1[%get3A_2, %get3A_3] : memref<8x128xf32, #tpu.memory_space<vmem>>, vector<8x128xf32>
    %get3A_5 = arith.constant 0 : index
    %get3A_6 = arith.constant 0 : index
    %get3A_7 = vector.load %arg2[%get3A_5, %get3A_6] : memref<8x128xf32, #tpu.memory_space<vmem>>, vector<8x128xf32>
    %log3A = math.log %get3A_7 : vector<8x128xf32>
    %add3A = arith.addf %get3A_4, %log3A : vector<8x128xf32>
    %reduce_sum3A = vector.shape_cast %add3A : vector<8x128xf32> to vector<1x8x128xf32>
    %reduce_sum3A_8 = arith.constant dense<0.000000e+00> : vector<1xf32>
    %reduce_sum3A_9 = vector.multi_reduction <add>, %reduce_sum3A, %reduce_sum3A_8 [1, 2] : vector<1x8x128xf32> to vector<1xf32>
    %reduce_sum3A_10 = vector.shape_cast %reduce_sum3A_9 : vector<1xf32> to vector<1x1x1xf32>
    %reduce_sum3A_11 = vector.extract %reduce_sum3A_10[0, 0, 0] : f32 from vector<1x1x1xf32>
    %add3A_12 = arith.addf %get3A_1, %reduce_sum3A_11 : f32
    %mul3A = arith.constant 6.10351563E-5 : f32
    %mul3A_13 = arith.mulf %add3A_12, %mul3A : f32
    %swap3A = arith.constant 0 : index
    %swap3A_14 = arith.constant 0 : index
    %swap3A_15 = memref.load %arg3[%swap3A, %swap3A_14] : memref<1x1xf32, #tpu.memory_space<smem>>
    memref.store %mul3A_13, %arg3[%swap3A, %swap3A_14] : memref<1x1xf32, #tpu.memory_space<smem>>
    return
  }
}

module attributes {stable_mosaic.version = 14 : i64} {
  func.func @_kl_block(%arg0: i32, %arg1: memref<1280x1000xf32, #tpu.memory_space<vmem>>, %arg2: memref<1280x1000xf32, #tpu.memory_space<vmem>>, %arg3: memref<1x1xf32, #tpu.memory_space<smem>>) attributes {dimension_semantics = [#tpu.dimension_semantics<arbitrary>], iteration_bounds = array<i64: 12>, scalar_prefetch = 0 : i64, scratch_operands = 0 : i64, tpu.core_type = #tpu.core_type<tc>, window_params = [{transform_indices = @transform_0, window_bounds = array<i64: 1280, 1000>}, {transform_indices = @transform_1, window_bounds = array<i64: 1280, 1000>}, {transform_indices = @transform_2, window_bounds = array<i64: 1, 1>}]} {
    %get3A = arith.constant 0 : index
    %get3A_0 = arith.constant 0 : index
    %get3A_1 = vector.load %arg2[%get3A, %get3A_0] : memref<1280x1000xf32, #tpu.memory_space<vmem>>, vector<1280x1000xf32>
    %get3A_2 = arith.constant 0 : index
    %get3A_3 = arith.constant 0 : index
    %get3A_4 = vector.load %arg1[%get3A_2, %get3A_3] : memref<1280x1000xf32, #tpu.memory_space<vmem>>, vector<1280x1000xf32>
    %reduce_max3A = arith.constant dense<0xFF800000> : vector<1280xf32>
    %reduce_max3A_5 = vector.multi_reduction <maximumf>, %get3A_1, %reduce_max3A [1] : vector<1280x1000xf32> to vector<1280xf32>
    %broadcast_in_dim3A = vector.shape_cast %reduce_max3A_5 : vector<1280xf32> to vector<1280x1xf32>
    %eq3A = vector.broadcast %broadcast_in_dim3A : vector<1280x1xf32> to vector<1280x1000xf32>
    %eq3A_6 = arith.cmpf oeq, %get3A_1, %eq3A : vector<1280x1000xf32>
    %convert_element_type3A = arith.extui %eq3A_6 : vector<1280x1000xi1> to vector<1280x1000xi32>
    %convert_element_type3A_7 = arith.sitofp %convert_element_type3A : vector<1280x1000xi32> to vector<1280x1000xf32>
    %reduce_sum3A = arith.constant dense<0.000000e+00> : vector<1280xf32>
    %reduce_sum3A_8 = vector.multi_reduction <add>, %convert_element_type3A_7, %reduce_sum3A [1] : vector<1280x1000xf32> to vector<1280xf32>
    %broadcast_in_dim3A_9 = vector.shape_cast %reduce_sum3A_8 : vector<1280xf32> to vector<1280x1xf32>
    %gt3A = arith.constant 1.500000e+00 : f32
    %gt3A_10 = vector.broadcast %gt3A : f32 to vector<1280x1xf32>
    %gt3A_11 = arith.cmpf ogt, %broadcast_in_dim3A_9, %gt3A_10 : vector<1280x1xf32>
    %jit3A = arith.constant 0xFF800000 : f32
    %broadcast_in_dim3A_12 = vector.broadcast %jit3A : f32 to vector<1280x1000xf32>
    %select_n3A = arith.select %eq3A_6, %broadcast_in_dim3A_12, %get3A_1 : vector<1280x1000xi1>, vector<1280x1000xf32>
    %reduce_max3A_13 = arith.constant dense<0xFF800000> : vector<1280xf32>
    %reduce_max3A_14 = vector.multi_reduction <maximumf>, %select_n3A, %reduce_max3A_13 [1] : vector<1280x1000xf32> to vector<1280xf32>
    %broadcast_in_dim3A_15 = vector.shape_cast %reduce_max3A_14 : vector<1280xf32> to vector<1280x1xf32>
    %sub3A = arith.subf %broadcast_in_dim3A, %broadcast_in_dim3A_15 : vector<1280x1xf32>
    %gt3A_16 = arith.constant 6.000000e-01 : f32
    %gt3A_17 = vector.broadcast %gt3A_16 : f32 to vector<1280x1xf32>
    %gt3A_18 = arith.cmpf ogt, %sub3A, %gt3A_17 : vector<1280x1xf32>
    %le3A = arith.constant 8.000000e-01 : f32
    %le3A_19 = vector.broadcast %le3A : f32 to vector<1280x1xf32>
    %le3A_20 = arith.cmpf ole, %sub3A, %le3A_19 : vector<1280x1xf32>
    %and3A = arith.andi %gt3A_18, %le3A_20 : vector<1280x1xi1>
    %not3A = arith.constant dense<true> : vector<1280x1xi1>
    %not3A_21 = arith.xori %gt3A_11, %not3A : vector<1280x1xi1>
    %and3A_22 = arith.andi %and3A, %not3A_21 : vector<1280x1xi1>
    %jit3A_23 = arith.constant 1.42857146 : f32
    %jit3A_24 = arith.constant 1.000000e+00 : f32
    %broadcast_in_dim3A_25 = vector.broadcast %jit3A_23 : f32 to vector<1280x1xf32>
    %broadcast_in_dim3A_26 = vector.broadcast %jit3A_24 : f32 to vector<1280x1xf32>
    %select_n3A_27 = arith.select %and3A_22, %broadcast_in_dim3A_25, %broadcast_in_dim3A_26 : vector<1280x1xi1>, vector<1280x1xf32>
    %mul3A = vector.broadcast %select_n3A_27 : vector<1280x1xf32> to vector<1280x1000xf32>
    %mul3A_28 = arith.mulf %get3A_1, %mul3A : vector<1280x1000xf32>
    %mul3A_29 = arith.mulf %broadcast_in_dim3A, %select_n3A_27 : vector<1280x1xf32>
    %sub3A_30 = vector.broadcast %mul3A_29 : vector<1280x1xf32> to vector<1280x1000xf32>
    %sub3A_31 = arith.subf %mul3A_28, %sub3A_30 : vector<1280x1000xf32>
    %exp3A = math.exp %sub3A_31 : vector<1280x1000xf32>
    %reduce_sum3A_32 = arith.constant dense<0.000000e+00> : vector<1280xf32>
    %reduce_sum3A_33 = vector.multi_reduction <add>, %exp3A, %reduce_sum3A_32 [1] : vector<1280x1000xf32> to vector<1280xf32>
    %broadcast_in_dim3A_34 = vector.shape_cast %reduce_sum3A_33 : vector<1280xf32> to vector<1280x1xf32>
    %sub3A_35 = arith.subf %mul3A_28, %get3A_4 : vector<1280x1000xf32>
    %mul3A_36 = arith.mulf %exp3A, %sub3A_35 : vector<1280x1000xf32>
    %reduce_sum3A_37 = arith.constant dense<0.000000e+00> : vector<1280xf32>
    %reduce_sum3A_38 = vector.multi_reduction <add>, %mul3A_36, %reduce_sum3A_37 [1] : vector<1280x1000xf32> to vector<1280xf32>
    %broadcast_in_dim3A_39 = vector.shape_cast %reduce_sum3A_38 : vector<1280xf32> to vector<1280x1xf32>
    %reduce_max3A_40 = arith.constant dense<0xFF800000> : vector<1280xf32>
    %reduce_max3A_41 = vector.multi_reduction <maximumf>, %get3A_4, %reduce_max3A_40 [1] : vector<1280x1000xf32> to vector<1280xf32>
    %broadcast_in_dim3A_42 = vector.shape_cast %reduce_max3A_41 : vector<1280xf32> to vector<1280x1xf32>
    %sub3A_43 = vector.broadcast %broadcast_in_dim3A_42 : vector<1280x1xf32> to vector<1280x1000xf32>
    %sub3A_44 = arith.subf %get3A_4, %sub3A_43 : vector<1280x1000xf32>
    %exp3A_45 = math.exp %sub3A_44 : vector<1280x1000xf32>
    %reduce_sum3A_46 = arith.constant dense<0.000000e+00> : vector<1280xf32>
    %reduce_sum3A_47 = vector.multi_reduction <add>, %exp3A_45, %reduce_sum3A_46 [1] : vector<1280x1000xf32> to vector<1280xf32>
    %broadcast_in_dim3A_48 = vector.shape_cast %reduce_sum3A_47 : vector<1280xf32> to vector<1280x1xf32>
    %div3A = arith.divf %broadcast_in_dim3A_39, %broadcast_in_dim3A_34 : vector<1280x1xf32>
    %sub3A_49 = arith.subf %div3A, %mul3A_29 : vector<1280x1xf32>
    %log3A = math.log %broadcast_in_dim3A_34 : vector<1280x1xf32>
    %sub3A_50 = arith.subf %sub3A_49, %log3A : vector<1280x1xf32>
    %add3A = arith.addf %sub3A_50, %broadcast_in_dim3A_42 : vector<1280x1xf32>
    %log3A_51 = math.log %broadcast_in_dim3A_48 : vector<1280x1xf32>
    %add3A_52 = arith.addf %add3A, %log3A_51 : vector<1280x1xf32>
    %reduce_sum3A_53 = vector.shape_cast %add3A_52 : vector<1280x1xf32> to vector<1x1280x1xf32>
    %reduce_sum3A_54 = arith.constant dense<0.000000e+00> : vector<1xf32>
    %reduce_sum3A_55 = vector.multi_reduction <add>, %reduce_sum3A_53, %reduce_sum3A_54 [1, 2] : vector<1x1280x1xf32> to vector<1xf32>
    %reduce_sum3A_56 = vector.shape_cast %reduce_sum3A_55 : vector<1xf32> to vector<1x1x1xf32>
    %reduce_sum3A_57 = vector.extract %reduce_sum3A_56[0, 0, 0] : f32 from vector<1x1x1xf32>
    %eq3A_58 = arith.constant 0 : i32
    %eq3A_59 = arith.cmpi eq, %arg0, %eq3A_58 : i32
    %convert_element_type3A_60 = arith.extui %eq3A_59 : i1 to i32
    %cond3A = arith.constant 0 : i32
    %cond3A_61 = arith.cmpi ne, %convert_element_type3A_60, %cond3A : i32
    scf.if %cond3A_61 {
      %swap3A_68 = arith.constant 0.000000e+00 : f32
      %swap3A_69 = arith.constant 0 : index
      %swap3A_70 = arith.constant 0 : index
      %swap3A_71 = memref.load %arg3[%swap3A_69, %swap3A_70] : memref<1x1xf32, #tpu.memory_space<smem>>
      memref.store %swap3A_68, %arg3[%swap3A_69, %swap3A_70] : memref<1x1xf32, #tpu.memory_space<smem>>
    } else {
    }
    %get3A_62 = arith.constant 0 : index
    %get3A_63 = arith.constant 0 : index
    %get3A_64 = memref.load %arg3[%get3A_62, %get3A_63] : memref<1x1xf32, #tpu.memory_space<smem>>
    %add3A_65 = arith.addf %get3A_64, %reduce_sum3A_57 : f32
    %swap3A = arith.constant 0 : index
    %swap3A_66 = arith.constant 0 : index
    %swap3A_67 = memref.load %arg3[%swap3A, %swap3A_66] : memref<1x1xf32, #tpu.memory_space<smem>>
    memref.store %add3A_65, %arg3[%swap3A, %swap3A_66] : memref<1x1xf32, #tpu.memory_space<smem>>
    return
  }
  func.func @transform_0(%arg0: i32) -> (i32, i32) {
    %c0_i32 = arith.constant 0 : i32
    %c0_i32_0 = arith.constant 0 : i32
    return %arg0, %c0_i32 : i32, i32
  }
  func.func @transform_1(%arg0: i32) -> (i32, i32) {
    %c0_i32 = arith.constant 0 : i32
    %c0_i32_0 = arith.constant 0 : i32
    return %arg0, %c0_i32 : i32, i32
  }
  func.func @transform_2(%arg0: i32) -> (i32, i32) {
    %c0_i32 = arith.constant 0 : i32
    %c0_i32_0 = arith.constant 0 : i32
    %c0_i32_1 = arith.constant 0 : i32
    return %c0_i32, %c0_i32_0 : i32, i32
  }
}

</mosaic_0001>

<sc_bundles>
// kernel: kernel.5.cloned.1.call-start
scs
__scs_entry_jumppad:
0x0: {  	(pc) =	sbr.rel $0x88, $3  }
0x1: {  	(tag) =	ssettag $0x0;
	lr =	simm.s32 $0x1  }
0x2: {  	[smem:$0x3F9F] =	sst lr;
	_ =	strace $0xD0000000  }
0x3: {  	_ = 	snop  }
0x4: {  	_ = 	snop  }
0x5: {  	_ = 	snop  }
0x6: {  	_ = 	snop  }
0x7: {  	_ = 	snop  }
__scs_overlays_trampoline_lowered:
0x8: {  	[smem:$0x3FAE] =	sst s0  }
0x9: {  	[smem:$0x3FAF] =	sst s1  }
0xa: {  	[smem:$0x3FB0] =	sst s2  }
0xb: {  	[smem:$0x3FB1] =	sst s3  }
0xc: {  	[smem:$0x3FB2] =	sst s4  }
0xd: {  	[smem:$0x3FB3] =	sst s5  }
0xe: {  	[smem:$0x3FB4] =	sst s6  }
0xf: {  	[smem:$0x3FB5] =	sst s7  }
0x10: {  	[smem:$0x3FB6] =	sst s8  }
0x11: {  	[smem:$0x3FB7] =	sst s9;
	s0 =	simm.s32 @!p0 $0x0  }
0x12: {  	s1 =	sld [smem:$0x3F9D];
	s0 =	simm.s32 @p0 $0x1  }
0x13: {  	[smem:$0x3FB8] =	sst s0;
	s0 =	simm.s32 @!p1 $0x0  }
0x14: {  	s2 =	sld [smem:$0x3F9C];
	s0 =	simm.s32 @p1 $0x1  }
0x15: {  	[smem:$0x3FB9] =	sst s0;
	s0 =	simm.s32 @!p2 $0x0  }
0x16: {  	s3 =	sld [smem:$0x3FDB];
	s0 =	simm.s32 @p2 $0x1  }
0x17: {  	s4 =	simm.s32 $0x1BF5;
	[smem:$0x3FBB] =	sst s0  }
0x18: {  	s0 =	sld [smem:$0x3F9E];
	_ =	swait.ge [sflag:s4], $0x0  }
0x19: {  	s7 =	sld [smem:$0x3F9F]  }
0x1a: {  	s8 =	sadd.s32 $0xFFFFE003, lr  }
0x1b: {  	s9 =	sadd.s32 $0xFFFFFEF7, lr;
	s5 =	simm.s32 $0xFFFFFFFF;
	p2 =	slt.u32 s8, $0xFFFFF086  }
0x1c: {  	p1 =	slt.u32 s9, $0xF7A;
	s5 =	simm.s32 @!p2 $0x0  }
0x1d: {  	s5 =	simm.s32 @p1 $0x1;
	p0 =	seq.s32 s7, s2  }
0x1e: {  	s7 =	smul.u32 @!p0 $0xF7A, s2;
	p2 =	seq.s32 @!p0 s5, $0x0  }
0x1f: {  	s9 =	smul.u32 $0xF7A, s1;
	s8 =	simm.s32 @!p0 $0x1BF5;
	p2 =	por !p2, p0  }
0x20: {  	[sflag:s8] =	ssyncset.s32 @!p0 $0xFFFFF086;
	s6 =	sadd.s32 @!p0 s3, s7;
	s7 =	simm.s32 @!p0 $0x108  }
0x21: {  	s3 =	sadd.s32 s3, s9;
	s6 =	sadd.s32 @!p0 $0x88, s6;
	s7 =	simm.s32 @p2 $0x1082  }
0x22: {  	[simem:s7], [sflag:s8] =	dma.local @!p0 [hbm:s6], $0xF7A  }
0x23: {  	s9 =	sor.u32 $0xD0000000, s2;
	s6 =	simm.s32 $0x108;
	_ =	swait.ge @!p0 [sflag:s8], $0x0  }
0x24: {  	s3 =	sadd.s32 $0x88, s3;
	s6 =	simm.s32 @!p1 $0x1082;
	[sflag:s4] =	ssyncset.s32 $0xFFFFF086  }
0x25: {  	[simem:s6], [sflag:s4] =	dma.local [hbm:s3], $0xF7A  }
0x26: {  	[smem:$0x3F9F] =	sst s1;
	(tag) =	ssettag s2;
	_ =	strace s9  }
0x27: {  	s1 =	sld [smem:$0x3FAF]  }
0x28: {  	s2 =	sld [smem:$0x3FB0]  }
0x29: {  	s4 =	sld [smem:$0x3FB2]  }
0x2a: {  	p0 =	seq.s32 s5, $0x0;
	s5 =	sld [smem:$0x3FB3]  }
0x2b: {  	s6 =	sld [smem:$0x3FB4]  }
0x2c: {  	s7 =	sld [smem:$0x3FB5]  }
0x2d: {  	s3 =	simm.s32 $0x108;
	s8 =	sld [smem:$0x3FB6]  }
0x2e: {  	s3 =	simm.s32 @!p0 $0x1082;
	s9 =	sld [smem:$0x3FB7]  }
0x2f: {  	lr =	sadd.s32 s0, s3;
	s0 =	sld [smem:$0x3FAE]  }
0x30: {  	s3 =	sld [smem:$0x3FB1]  }
0x31: {  	[smem:$0x3FBA] =	sst s10  }
0x32: {  	s10 =	sld [smem:$0x3FB8];
	_ =	sdelay $0x3  }
0x33: {  	p0 =	seq.s32 s10, $0x1;
	s10 =	sld [smem:$0x3FBA];
	_ =	sdelay $0x3  }
0x34: {  	[smem:$0x3FBA] =	sst s10  }
0x35: {  	s10 =	sld [smem:$0x3FB9];
	_ =	sdelay $0x3  }
0x36: {  	p1 =	seq.s32 s10, $0x1;
	s10 =	sld [smem:$0x3FBA];
	_ =	sdelay $0x3  }
0x37: {  	[smem:$0x3FBA] =	sst s10  }
0x38: {  	s10 =	sld [smem:$0x3FBB]  }
0x39: {  	_ = 	snop;
	(pc) =	sbr.ind lr, $3  }
0x3a: {  	_ = 	snop  }
0x3b: {  	_ = 	snop  }
0x3c: {  	p2 =	seq.s32 s10, $0x1;
	s10 =	sld [smem:$0x3FBA]  }
0x3d: {  	_ =	shalt  }
0x3e: {  	_ =	shalt  }
0x3f: {  	_ =	shalt  }
0x40: {  	_ =	shalt  }
0x41: {  	_ =	shalt  }
0x42: {  	_ =	shalt  }
0x43: {  	_ =	shalt  }
0x44: {  	_ =	shalt  }
0x45: {  	_ =	shalt  }
0x46: {  	_ =	shalt  }
0x47: {  	_ =	shalt  }
0x48: {  	_ =	shalt  }
0x49: {  	_ =	shalt  }
0x4a: {  	_ =	shalt  }
0x4b: {  	_ =	shalt  }
0x4c: {  	_ =	shalt  }
0x4d: {  	_ =	shalt  }
0x4e: {  	_ =	shalt  }
0x4f: {  	_ =	shalt  }
0x50: {  	_ =	shalt  }
0x51: {  	_ =	shalt  }
0x52: {  	_ =	shalt  }
0x53: {  	_ =	shalt  }
0x54: {  	_ =	shalt  }
0x55: {  	_ =	shalt  }
0x56: {  	_ =	shalt  }
0x57: {  	_ =	shalt  }
0x58: {  	_ =	shalt  }
0x59: {  	_ =	shalt  }
0x5a: {  	_ =	shalt  }
0x5b: {  	_ =	shalt  }
0x5c: {  	_ =	shalt  }
0x5d: {  	_ =	shalt  }
0x5e: {  	_ =	shalt  }
0x5f: {  	_ =	shalt  }
0x60: {  	_ =	shalt  }
0x61: {  	_ =	shalt  }
0x62: {  	_ =	shalt  }
0x63: {  	_ =	shalt  }
0x64: {  	_ =	shalt  }
0x65: {  	_ =	shalt  }
0x66: {  	_ =	shalt  }
0x67: {  	_ =	shalt  }
0x68: {  	_ =	shalt  }
0x69: {  	_ =	shalt  }
0x6a: {  	_ =	shalt  }
0x6b: {  	_ =	shalt  }
0x6c: {  	_ =	shalt  }
0x6d: {  	_ =	shalt  }
0x6e: {  	_ =	shalt  }
0x6f: {  	_ =	shalt  }
0x70: {  	_ =	shalt  }
0x71: {  	_ =	shalt  }
0x72: {  	_ =	shalt  }
0x73: {  	_ =	shalt  }
0x74: {  	_ =	shalt  }
0x75: {  	_ =	shalt  }
0x76: {  	_ =	shalt  }
0x77: {  	_ =	shalt  }
0x78: {  	_ =	shalt  }
0x79: {  	_ =	shalt  }
0x7a: {  	_ =	shalt  }
0x7b: {  	_ =	shalt  }
0x7c: {  	_ =	shalt  }
0x7d: {  	_ =	shalt  }
0x7e: {  	_ =	shalt  }
0x7f: {  	_ =	shalt  }
0x80: {  	_ =	shalt  }
0x81: {  	_ =	shalt  }
0x82: {  	_ =	shalt  }
0x83: {  	_ =	shalt  }
0x84: {  	_ =	shalt  }
0x85: {  	_ =	shalt  }
0x86: {  	_ =	shalt  }
0x87: {  	_ =	shalt  }
.Lfunc_end0:
.L_simem_size_0:
called_computation_lowered:
.L_overlay_start_0:
0x88: {  	s2 =	sld [smem:$0x3FD9]  }
0x89: {  	s3 =	sld [smem:$0x3FFE];
	_ =	sdelay $0x1  }
0x8a: {  	s1 =	srdreg.scid  }
0x8b: {  	s0 =	sand.u32 $0x1, s1  }
0x8c: {  	s16 =	sshll.u32 s0, $0xA;
	s2 =	sadd.s32 s3, s2  }
0x8d: {  	s2 =	sadd.s32 s2, s16  }
0x8e: {  	[smem:$0x3FC6] =	sst s2  }
0x8f: {  	_ = 	snop  }
0x90: {  	(tm) =	ssettm $0x1  }
0x91: {  	s17 =	sld [smem:$0x3FFB];
	_ =	sdelay $0x3  }
0x92: {  	_ =	strace s17  }
0x93: {  	s2 =	sld [smem:$0x3FFC];
	_ =	sdelay $0x3  }
0x94: {  	_ =	strace s2  }
0x95: {  	s2 =	sld [smem:$0x3FFD];
	_ =	sdelay $0x3  }
0x96: {  	_ =	strace s2  }
0x97: {  	_ =	strace $0x8FFFFFFF  }
0x98: {  	s18 =	sld [smem:$0x3FDB];
	_ =	sdelay $0x1  }
0x99: {  	s19 =	simm.s32 $_scs_section_size  }
0x9a: {  	s4 =	simm.s32 $_size__tile_overlayer_lowered;
	s5 =	simm.s32 $_tile_overlayer_lowered  }
0x9b: {  	s22 =	simm.s32 $0x1BFF;
	s21 =	sshll.u32 s5, $0x1;
	s2 =	sadd.s32 s19, s18  }
0x9c: {  	s6 =	simm.s32 $0x0;
	s20 =	sshll.u32 s4, $0x1;
	s4 =	sadd.s32 s21, s2  }
0x9d: {  	[timem:s6], [sflag:s22] =	dma.local [hbm:s4], s20  }
0x9e: {  	_ =	swait.ge [sflag:s22], s20  }
0x9f: {  	s3 =	ssub.s32 $0x0, s20;
	[sflag:s22] =	ssyncset.done $0x0  }
0xa0: {  	[sflag:s22] =	ssyncadd.s32 s3;
	_ =	sdelay $0x1  }
0xa1: {  	s23 =	simm.s32 $0x1B8B  }
0xa2: {  	_ =	swait.ge [sflag:s23], $0x1  }
0xa3: {  	[sflag:s23] =	ssyncset.done $0x0  }
0xa4: {  	s25 =	simm.s32 $0x1B8E;
	s24 =	sld [smem:$0x3FFE];
	[sflag:s23] =	ssyncadd.s32 $0xFFFFFFFF  }
0xa5: {  	s26 =	simm.s32 $execute0_lowered;
	[smem:$0x3FD2] =	sst s25  }
0xa6: {  	s4 =	sshll.u32 s26, $0x1;
	_ =	strace $0x80000046;
	[dreg:$0x1] =	wrdreg $0xFFFFFFFF  }
0xa7: {  	s28 =	simm.s32 $_size_execute0_lowered;
	s2 =	sadd.s32 s2, s4;
	[dreg:$0x0] =	wrdreg $0x0  }
0xa8: {  	s4 =	sshll.u32 s28, $0x1;
	[dreg:$0x2] =	wrdreg s2  }
0xa9: {  	[dreg:$0x3] =	wrdreg s4  }
0xaa: {  	[dreg:$0x4] =	wrdreg $0xC0  }
0xab: {  	_ =	task [dreg:s6], $0x5FFFF  }
0xac: {  	[dreg:$0x1] =	wrdreg $0xFFFFFFFF  }
0xad: {  	[dreg:$0x0] =	wrdreg $0x60  }
0xae: {  	[dreg:$0x2] =	wrdreg s24  }
0xaf: {  	[dreg:$0x3] =	wrdreg $0x9  }
0xb0: {  	_ =	task.clear_ibuf [dreg:s6], $0x4FFFF;
	_ =	strace $0x90000046  }
0xb1: {  	s29 =	simm.s32 $0x9;
	_ =	strace $0x80000048  }
0xb2: {  	_ =	swait.ge [sflag:s29], $0x1  }
0xb3: {  	[sflag:s29] =	ssyncadd.s32 $0xFFFFFFFF  }
0xb4: {  	_ =	strace $0x90000048  }
0xb5: {  	_ =	sfence  }
0xb6: {  	s30 =	sld [smem:$0x0];
	_ =	sdelay $0x2  }
0xb7: {  	s31 =	sshll.u32 s1, $0xD;
	s1 =	sshrl.u32 s1, $0x2  }
0xb8: {  	s3 =	sand.u32 $0x4000, s31;
	s1 =	sadd.s32 s1, s30  }
0xb9: {  	s0 =	sor.u32 s3, s0;
	s1 =	sshll.u32 s1, $0x11  }
0xba: {  	s0 =	sor.u32 s1, s0  }
0xbb: {  	s0 =	sadd.s32 $0x8F2B, s0  }
0xbc: {  	[sflag:s0] =	ssyncadd.remote.s32 $0x1  }
0xbd: {  	_ =	sfence.sel $0xFFFF  }
0xbe: {  	[dreg:$0x0] =	wrdreg $0xFFFFFFFF;
	(pc) =	sbr.abs _section_cstart, $3  }
0xbf: {  	[dreg:$0x1] =	wrdreg $0xFFFFFFFF  }
0xc0: {  	_ =	task.clear_ibuf [dreg:s6], $0x2FFFF;
	_ =	strace $0x9FFFFFFF  }
0xc1: {  	(tm) =	ssettm $0x7FFFFFFF  }
tec
execute0_lowered:
.L_overlay_start_1:
0x0: {  	(tag) =	ssettag $0x1  }
0x1: {  	s6 =	rddreg [dreg:$0x0]  }
0x2: {  	s0 =	rddreg [dreg:$0x1];
	s1 =	simm.s32 $0x0  }
0x3: {  	s2 =	srdreg.scid;
	s11 =	simm.s32 $0x8000;
	s12 =	simm.s32 $0x8080  }
0x4: {  	s13 =	simm.s32 $0x0;
	[smem:$0x7FF] =	sst s1;
	s3 =	sadd.s32 $0xC00, s6  }
0x5: {  	s4 =	sadd.s32 $0x200C00, s6;
	s7 =	sand.u32 $0x1, s2;
	s5 =	sadd.s32 $0x400C00, s6  }
0x6: {  	s2 =	stileid.u32;
	s6 =	sadd.s32 $0x400E00, s6;
	s8 =	ssub.s32 $0x2, s7  }
0x7: {  	s10 =	sshll.u32 s2, $0x6;
	s7 =	sshll.u32 s7, $0x5;
	s9 =	sshrl.u32 s8, $0x1  }
0x8: {  	_ =	strace $0x80000047;
	s7 =	sor.u32 s7, s10;
	s8 =	ssub.s32 s8, s9  }
0x9: {  	vm0 =	vmmov $0xff;
	v0 =	vlaneseq.u32;
	s10 =	simm.s32 $0x4000;
	s9 =	simm.s32 $0x1;
	s8 =	smax.u32 s8, $0x1  }
.LBB2_1:
0xa: {  	p1 =	por $0x1, $0x1;
	s14 =	simm.s32 $0x0  }
.LBB2_2:
0xb: {  	s14 =	sor.u32 s7, s14  }
0xc: {  	s15 =	sshll.u32 s14, $0x7  }
0xd: {  	s16 =	sor.u32 $0x1E0000, s15  }
0xe: {  	s15 =	simm.s32 $0x0;
	s17 =	sadd.s32 s4, s16  }
0xf: {  	[tilespmem:s15], [sflag:$0x1] =	stream.linear.gather [hbm4b:s17+s15], $0x4000, $0x38;
	[tilespmem:$0x8100] =	vst v63  }
0x10: {  	_ =	swait.ge [sflag:s9], $0x4000  }
0x11: {  	[sflag:s9] =	ssyncset.done $0x0  }
0x12: {  	s16 =	sadd.s32 s3, s16;
	[sflag:s9] =	ssyncadd.s32 $0xFFFFC000  }
0x13: {  	[tilespmem:s10], [sflag:$0x1] =	stream.linear.gather [hbm4b:s16+s15], $0x4000, $0x38;
	[tilespmem:$0x8100] =	vst v63  }
0x14: {  	_ =	swait.ge [sflag:s9], $0x4000  }
0x15: {  	[sflag:s9] =	ssyncset.done $0x0  }
0x16: {  	p0 =	por p1, p1;
	v1 =	vimm.f32 $0.0e+00;
	v2 =	vimm.f32 $0.0e+00;
	s16 =	simm.s32 $0x0;
	[sflag:s9] =	ssyncadd.s32 $0xFFFFC000  }
.LBB2_3:
0x17: {  	s18 =	sshll.u32 s16, $0xA;
	s19 =	sshll.u32 s16, $0x7;
	s22 =	sand.u32 $0x40, s15  }
0x18: {  	s21 =	sand.u32 $0x1C00, s15;
	s17 =	sand.u32 $0x2000, s18;
	s20 =	sand.u32 $0x380, s19  }
0x19: {  	s17 =	sor.u32 s17, s20;
	s20 =	sor.u32 s21, s22  }
0x1a: {  	s20 =	sor.u32 s17, s20  }
0x1b: {  	v4 =	vld [tilespmem:s20+$0x0]  }
0x1c: {  	v5 =	vld [tilespmem:s20+$0x4000];
	s23 =	sor.u32 $0x10, s20  }
0x1d: {  	s22 =	sor.u32 $0x30, s20;
	v7 =	vld [tilespmem:s23+$0x0]  }
0x1e: {  	s24 =	sor.u32 $0x20, s20;
	v8 =	vld [tilespmem:s22+$0x0]  }
0x1f: {  	s26 =	simm.s32 $0x200;
	s25 =	sor.u32 $0x4020, s20;
	v9 =	vld [tilespmem:s24+$0x0];
	s23 =	simm.s32 $0x40  }
0x20: {  	s24 =	sor.u32 $0x4010, s20;
	s22 =	sand.u32 $0x1C00, s26;
	v11 =	vld [tilespmem:s25+$0x0];
	s23 =	sand.u32 $0x40, s23  }
0x21: {  	s29 =	sor.u32 $0x4030, s20;
	v10 =	vld [tilespmem:s24+$0x0];
	s28 =	sor.u32 s22, s23  }
0x22: {  	v3 =	vimm.f32 $-Inf;
	v6 =	vld [tilespmem:s29+$0x0];
	s20 =	sor.u32 s17, s28  }
0x23: {  	v12 =	vmax.f32 v3, v4;
	v13 =	vmin.f32 v3, v4;
	v4 =	vld [tilespmem:s20+$0x0];
	v15 =	vmax.f32 v3, v5  }
0x24: {  	s21 =	sor.u32 $0x10, s20;
	v14 =	vmin.f32 v12, v7;
	v13 =	vmax.f32 v3, v13;
	v5 =	vmax.f32 v12, v7;
	v3 =	vld [tilespmem:s20+$0x4000]  }
0x25: {  	s30 =	sor.u32 $0x30, s20;
	v7 =	vld [tilespmem:s21+$0x0];
	v60 =	vmax.f32 v13, v14;
	v61 =	vmax.f32 v5, v9;
	v5 =	vmin.f32 v5, v9  }
0x26: {  	s22 =	simm.s32 $0x400;
	s23 =	simm.s32 $0x80;
	s31 =	sor.u32 $0x20, s20;
	v63 =	vmax.f32 v15, v10;
	v9 =	vmax.f32 v60, v5;
	v62 =	vmin.f32 v61, v8;
	v5 =	vld [tilespmem:s30+$0x0]  }
0x27: {  	s24 =	sor.u32 $0x4010, s20;
	s25 =	sor.u32 $0x4020, s20;
	s21 =	simm.s32 $0x4;
	v10 =	vmax.f32 v61, v8;
	v8 =	vld [tilespmem:s31+$0x0];
	v11 =	vmax.f32 v63, v11;
	v9 =	vmax.f32 v9, v62  }
.LBB2_4:
0x28: {  	s26 =	sand.u32 $0x40, s23;
	s28 =	sand.u32 $0x1C00, s22;
	s21 =	sadd.s32 $0x4, s21;
	v12 =	vld [tilespmem:s25+$0x0];
	v11 =	vmax.f32 v11, v6  }
0x29: {  	v13 =	vmax.f32 v10, v4;
	s25 =	sor.u32 s28, s26;
	p1 =	slt.u32 s21, $0x38;
	v14 =	vld [tilespmem:s24+$0x0];
	s24 =	sor.u32 $0x4030, s20  }
0x2a: {  	v10 =	vmin.f32 v10, v4;
	s20 =	sor.u32 s17, s25;
	v15 =	vmin.f32 v13, v7;
	v6 =	vld [tilespmem:s24+$0x0]  }
.Ltmp0:
0x2b: {  	v9 =	vmax.f32 v9, v10;
	v11 =	vmax.f32 v11, v3;
	v7 =	vmax.f32 v13, v7;
	v4 =	vld [tilespmem:s20+$0x0];
	s25 =	sor.u32 $0x30, s20;
	(pc) =	sbr.rel @p1 .LBB2_4-.Ltmp0, $4  }
0x2c: {  	s24 =	sor.u32 $0x10, s20;
	v9 =	vmax.f32 v9, v15;
	v3 =	vld [tilespmem:s20+$0x4000];
	v13 =	vmax.f32 v7, v8;
	v8 =	vmin.f32 v7, v8  }
0x2d: {  	v7 =	vld [tilespmem:s24+$0x0];
	s24 =	sor.u32 $0x4010, s20;
	v8 =	vmax.f32 v9, v8;
	v10 =	vmax.f32 v13, v5;
	v9 =	vmin.f32 v13, v5  }
0x2e: {  	s26 =	sor.u32 $0x20, s20;
	v5 =	vld [tilespmem:s25+$0x0];
	v11 =	vmax.f32 v11, v14;
	v9 =	vmax.f32 v8, v9  }
0x2f: {  	s22 =	sadd.s32 $0x200, s22;
	s23 =	sadd.s32 $0x40, s23;
	s25 =	sor.u32 $0x4020, s20;
	v8 =	vld [tilespmem:s26+$0x0];
	v11 =	vmax.f32 v11, v12  }
0x30: {  	v12 =	vld [tilespmem:s24+$0x0]  }
0x31: {  	v13 =	vld [tilespmem:s25+$0x0];
	s20 =	sor.u32 $0x4030, s20  }
0x32: {  	v14 =	vmax.f32 v10, v4;
	v4 =	vmin.f32 v10, v4;
	s18 =	sor.u32 s18, s19;
	v10 =	vld [tilespmem:s20+$0x0]  }
0x33: {  	v6 =	vmax.f32 v11, v6;
	v4 =	vmax.f32 v9, v4;
	s19 =	sor.u32 $0x1C00, s18;
	v11 =	vmin.f32 v14, v7  }
0x34: {  	v3 =	vmax.f32 v6, v3;
	v6 =	vmax.f32 v14, v7;
	s19 =	sshll.u32 s19, $0x2;
	v4 =	vmax.f32 v4, v11  }
0x35: {  	s19 =	sshra.s32 s19, $0x2;
	v7 =	vmax.f32 v6, v8;
	v6 =	vmin.f32 v6, v8;
	v3 =	vmax.f32 v3, v12  }
0x36: {  	s21 =	sadd.s32 $0x40, s19;
	v4 =	vmax.f32 v4, v6;
	v3 =	vmax.f32 v3, v13  }
0x37: {  	s31 =	sadd.s32 $0x4040, s19;
	v6 =	vmin.f32 v7, v5;
	v9 =	vmax.f32 v3, v10;
	v3 =	vmov s21  }
0x38: {  	v8 =	vmax.f32 v7, v5;
	v7 =	vmax.f32 v4, v6;
	v4 =	vmov s31;
	_ =	sdelay $0x1  }
0x39: {  	s19 =	simm.s32 $0x0  }
.LBB2_6:
0x3a: {  	s20 =	sshra.s32 s19, $0x2  }
0x3b: {  	v5 =	vld.idx.msk [tilespmem:v3+s20+$0x0 ss:$0x1], $0xffff  }
0x3c: {  	p1 =	sne.s32 s19, $0x40;
	v6 =	vld.idx.msk [tilespmem:v4+s20+$0x0 ss:$0x1], $0xffff  }
.Ltmp1:
0x3d: {  	_ = 	snop;
	(pc) =	sbr.rel @p1 .LBB2_6-.Ltmp1, $3  }
0x3e: {  	_ =	sdelay $0x1  }
0x3f: {  	v10 =	vmin.f32 v8, v5  }
0x40: {  	s19 =	sadd.s32 $0x40, s19;
	v8 =	vmax.f32 v8, v5;
	v9 =	vmax.f32 v9, v6;
	v7 =	vmax.f32 v7, v10  }
0x41: {  	s18 =	sor.u32 $0x1C58, s18  }
0x42: {  	v5 =	vld [tilespmem:s18+$0x0];
	_ =	sdelay $0x4  }
0x43: {  	v6 =	vsel vm0, $0xFF800000, v5  }
0x44: {  	v10 =	vmax.f32 v8, v6  }
0x45: {  	(xrf0) =	vmax.scan.msk.f32 $0xffff, v10;
	_ =	sdelay $0x5  }
0x46: {  	v11, _, _ =	vpop (xrf0)  }
0x47: {  	v5 =	vld [tilespmem:s18+$0x4000];
	v12 =	vbroadcast v11, $0xF;
	_ =	sdelay $0x1  }
0x48: {  	v13 =	vimm.f32 $0.0e+00;
	vm1 =	veq.f32 v10, v12  }
0x49: {  	v12 =	vsel vm1, $0x3F800000, v13  }
0x4a: {  	(xrf2) =	vadd.scan.msk.f32 $0xffff, v12  }
0x4b: {  	v5 =	vsel vm0, $0xFF800000, v5  }
0x4c: {  	v9 =	vmax.f32 v9, v5  }
0x4d: {  	(xrf0) =	vmax.scan.msk.f32 $0xffff, v9  }
0x4e: {  	v8 =	vmin.f32 v8, v6;
	v9 =	vsel vm1, $0xFF800000, v10  }
0x4f: {  	v7 =	vmax.f32 v7, v8;
	(xrf0) =	vmax.scan.msk.f32 $0xffff, v9  }
0x50: {  	(xrf0) =	vmax.scan.msk.f32 $0xffff, v7;
	_ =	sdelay $0x2  }
0x51: {  	v7, _, _ =	vpop (xrf0)  }
0x52: {  	(v2sf) =	vpush v11, $0xF;
	v8, _, _ =	vpop (xrf2)  }
0x53: {  	v9, _, _ =	vpop (xrf0);
	(v2sf) =	vpush v8, $0xF  }
0x54: {  	v8, _, _ =	vpop (xrf0);
	(v2sf) =	vpush v9, $0xF  }
0x55: {  	(v2sf) =	vpush v8, $0xF;
	_ =	sdelay $0xb  }
0x56: {  	s18 =	spop (v2sf)  }
0x57: {  	s19 =	spop (v2sf)  }
0x58: {  	s20 =	spop (v2sf)  }
0x59: {  	p1 =	sgt.f32 s19, $1.500000000e+00;
	s25 =	spop (v2sf)  }
0x5a: {  	s19 =	smax.f32 s20, s25  }
0x5b: {  	s19 =	smov.u32 @p1 s18  }
0x5c: {  	s19 =	ssub.f32 s18, s19;
	_ =	sdelay $0x1  }
0x5d: {  	p1 =	sle.f32 s19, $8.000000110e-01  }
0x5e: {  	p2 =	sgt.f32 s19, $6.000000240e-01;
	s19 =	simm.f32 $1.428571460e+00  }
0x5f: {  	s19 =	simm.s32 @!p1 $0x3F800000  }
0x60: {  	s19 =	simm.s32 @!p2 $0x3F800000  }
0x61: {  	s18 =	smul.f32 s19, s18  }
0x62: {  	s26 =	simm.s32 $0x0  }
0x63: {  	s28 =	sand.u32 $0x40, s26;
	v8 =	vmov s18;
	s18 =	sand.u32 $0x1C00, s26  }
0x64: {  	s18 =	sor.u32 s18, s28  }
0x65: {  	s18 =	sor.u32 s17, s18  }
0x66: {  	v10 =	vld [tilespmem:s18+$0x0]  }
0x67: {  	s29 =	sor.u32 $0x10, s18  }
0x68: {  	v11 =	vld [tilespmem:s29+$0x0]  }
0x69: {  	s30 =	sor.u32 $0x20, s18  }
0x6a: {  	v9 =	vmov s19;
	s31 =	sor.u32 $0x30, s18;
	v12 =	vld [tilespmem:s30+$0x0]  }
0x6b: {  	v14 =	vld [tilespmem:s31+$0x0];
	v10 =	vmul.f32 v10, v9;
	_ =	sdelay $0x1  }
0x6c: {  	v11 =	vmul.f32 v11, v9;
	v15 =	vsub.f32 v10, v8  }
0x6d: {  	v16 =	vld [tilespmem:s18+$0x4000]  }
0x6e: {  	v7 =	vbroadcast v7, $0xF;
	s21 =	sor.u32 $0x4010, s18;
	v18 =	vsub.f32 v11, v8;
	v15 =	vmul.f32 $1.442695020e+00, v15  }
0x6f: {  	s22 =	sor.u32 $0x4020, s18;
	v17 =	vld [tilespmem:s21+$0x0];
	v19 =	vmul.f32 v12, v9;
	v12 =	vmul.f32 v14, v9  }
0x70: {  	s23 =	simm.s32 $0x200;
	s24 =	simm.s32 $0x40;
	v14 =	vld [tilespmem:s22+$0x0];
	(erf) = vpow2.f32 v15;
	v15 =	vmul.f32 $1.442695020e+00, v18  }
0x71: {  	s20 =	sand.u32 $0x40, s24;
	s19 =	sand.u32 $0x1C00, s23;
	v18 =	vsub.f32 v19, v8  }
0x72: {  	s19 =	sor.u32 s19, s20;
	s18 =	sor.u32 $0x4030, s18;
	v20 =	vsub.f32 v16, v7;
	(erf) = vpow2.f32 v15  }
0x73: {  	s25 =	sor.u32 s17, s19;
	v22 =	vld [tilespmem:s18+$0x0];
	v21 =	vsub.f32 v12, v8;
	v18 =	vmul.f32 $1.442695020e+00, v18  }
0x74: {  	v23 =	vld [tilespmem:s25+$0x0];
	v20 =	vmul.f32 $1.442695020e+00, v20;
	v15 =	vsub.f32 v17, v7  }
0x75: {  	s19 =	sor.u32 $0x10, s25;
	v21 =	vmul.f32 $1.442695020e+00, v21;
	(erf) = vpow2.f32 v18;
	v18 =	vsub.f32 v14, v7  }
0x76: {  	s26 =	sor.u32 $0x30, s25;
	v15 =	vmul.f32 $1.442695020e+00, v15;
	(erf) = vpow2.f32 v20;
	v20 =	vld [tilespmem:s19+$0x0]  }
0x77: {  	v24 =	vld [tilespmem:s26+$0x0];
	v17 =	vsub.f32 v11, v17;
	(erf) = vpow2.f32 v21;
	v11 =	vmul.f32 $1.442695020e+00, v18  }
0x78: {  	s28 =	sor.u32 $0x4010, s25;
	v10 =	vsub.f32 v10, v16;
	v12 =	vsub.f32 v12, v22;
	(erf) = vpow2.f32 v15  }
0x79: {  	s29 =	sor.u32 $0x20, s25;
	v16 =	vld [tilespmem:s28+$0x0];
	v15 =	vsub.f32 v22, v7;
	v25 =	vpop (erf);
	(erf) = vpow2.f32 v11;
	v11 =	vmul.f32 v23, v9  }
0x7a: {  	v18 =	vld [tilespmem:s29+$0x0];
	v22 =	vsub.f32 v19, v14;
	v19 =	vadd.f32 v25, v13  }
0x7b: {  	v15 =	vmul.f32 $1.442695020e+00, v15;
	v21 =	vmul.f32 v20, v9;
	v14 =	vsub.f32 v11, v8;
	v20 =	vpop (erf)  }
0x7c: {  	v23 =	vmul.f32 v25, v10;
	v10 =	vmul.f32 v24, v9;
	v19 =	vadd.f32 v20, v19  }
0x7d: {  	v24 =	vmul.f32 v20, v17;
	v17 =	vld [tilespmem:s25+$0x4000];
	v27 =	vmul.f32 $1.442695020e+00, v14  }
0x7e: {  	s30 =	sor.u32 $0x4020, s25;
	v25 =	vsub.f32 v16, v7;
	v23 =	vadd.f32 v23, v13;
	v26 =	vpop (erf)  }
0x7f: {  	v20 =	vsub.f32 v21, v8;
	v14 =	vmul.f32 v18, v9;
	(erf) = vpow2.f32 v15;
	v15 =	vld [tilespmem:s30+$0x0];
	v30 =	vpop (erf)  }
0x80: {  	s31 =	sor.u32 $0x4030, s25;
	v25 =	vmul.f32 $1.442695020e+00, v25;
	v18 =	vadd.f32 v26, v19;
	(erf) = vpow2.f32 v27;
	v19 =	vpop (erf)  }
0x81: {  	s20 =	simm.s32 $0x80;
	s18 =	simm.s32 $0x4;
	s19 =	simm.s32 $0x400;
	v28 =	vmul.f32 $1.442695020e+00, v20;
	v20 =	vld [tilespmem:s31+$0x0];
	v29 =	vsub.f32 v14, v8;
	v13 =	vadd.f32 v30, v13;
	v27 =	vpop (erf)  }
.LBB2_8:
0x82: {  	s21 =	sand.u32 $0x40, s20;
	s22 =	sand.u32 $0x1C00, s19;
	s18 =	sadd.s32 $0x4, s18;
	v30 =	vsub.f32 v17, v7;
	v31 =	vsub.f32 v21, v16;
	v16 =	vmul.f32 v26, v22;
	v21 =	vpop (erf)  }
0x83: {  	v26 =	vsub.f32 v10, v8;
	s21 =	sor.u32 s22, s21;
	p1 =	slt.u32 s18, $0x38;
	v22 =	vmul.f32 $1.442695020e+00, v29;
	(erf) = vpow2.f32 v28  }
0x84: {  	v23 =	vadd.f32 v24, v23;
	s21 =	sor.u32 s17, s21;
	v28 =	vmul.f32 $1.442695020e+00, v30;
	v29 =	vsub.f32 v15, v7  }
0x85: {  	v13 =	vadd.f32 v27, v13;
	v26 =	vmul.f32 $1.442695020e+00, v26;
	v24 =	vld [tilespmem:s21+$0x0];
	s22 =	sor.u32 $0x10, s21;
	s23 =	sor.u32 $0x20, s21;
	s24 =	sor.u32 $0x30, s21;
	(erf) = vpow2.f32 v22  }
0x86: {  	s25 =	sor.u32 $0x4010, s21;
	s26 =	sor.u32 $0x4020, s21;
	v27 =	vld [tilespmem:s24+$0x0];
	s24 =	sor.u32 $0x4030, s21;
	v22 =	vsub.f32 v20, v7;
	(erf) = vpow2.f32 v28;
	v28 =	vmul.f32 v19, v12  }
0x87: {  	v13 =	vadd.f32 v21, v13;
	v29 =	vmul.f32 $1.442695020e+00, v29;
	v30 =	vld [tilespmem:s22+$0x0];
	(erf) = vpow2.f32 v26  }
0x88: {  	v17 =	vsub.f32 v11, v17;
	v21 =	vadd.f32 v16, v23;
	v32 =	vld [tilespmem:s23+$0x0];
	(erf) = vpow2.f32 v25;
	v11 =	vpop (erf)  }
0x89: {  	v12 =	vsub.f32 v10, v20;
	v16 =	vld [tilespmem:s25+$0x0];
	v10 =	vpop (erf);
	(erf) = vpow2.f32 v29;
	v13 =	vadd.f32 v11, v13  }
0x8a: {  	v18 =	vadd.f32 v19, v18;
	v20 =	vmul.f32 $1.442695020e+00, v22;
	v11 =	vmul.f32 v24, v9  }
0x8b: {  	v22 =	vsub.f32 v14, v15;
	v14 =	vadd.f32 v28, v21;
	v19 =	vmul.f32 v10, v17  }
0x8c: {  	v18 =	vadd.f32 v10, v18;
	v15 =	vsub.f32 v11, v8;
	v21 =	vmul.f32 v30, v9;
	v25 =	vpop (erf)  }
.Ltmp2:
0x8d: {  	v10 =	vmul.f32 v27, v9;
	v23 =	vadd.f32 v19, v14;
	v17 =	vld [tilespmem:s21+$0x4000];
	v24 =	vmul.f32 v25, v31;
	(pc) =	sbr.rel @p1 .LBB2_8-.Ltmp2, $4  }
0x8e: {  	v18 =	vadd.f32 v25, v18;
	v29 =	vmul.f32 $1.442695020e+00, v15;
	v31 =	vsub.f32 v16, v7;
	v26 =	vpop (erf)  }
0x8f: {  	v14 =	vmul.f32 v32, v9;
	v28 =	vsub.f32 v21, v8;
	v15 =	vld [tilespmem:s26+$0x0];
	v30 =	vpop (erf);
	(erf) = vpow2.f32 v20  }
0x90: {  	v18 =	vadd.f32 v26, v18;
	v25 =	vmul.f32 $1.442695020e+00, v31;
	(erf) = vpow2.f32 v29;
	v19 =	vpop (erf)  }
0x91: {  	s19 =	sadd.s32 $0x200, s19;
	s20 =	sadd.s32 $0x40, s20;
	v28 =	vmul.f32 $1.442695020e+00, v28;
	v29 =	vsub.f32 v14, v8;
	v13 =	vadd.f32 v30, v13;
	v20 =	vld [tilespmem:s24+$0x0];
	v27 =	vpop (erf)  }
0x92: {  	v30 =	vsub.f32 v17, v7  }
0x93: {  	v31 =	vsub.f32 v10, v8;
	v29 =	vmul.f32 $1.442695020e+00, v29  }
0x94: {  	(erf) = vpow2.f32 v28;
	v47 =	vmul.f32 $1.442695020e+00, v30  }
0x95: {  	v48 =	vmul.f32 $1.442695020e+00, v31;
	(erf) = vpow2.f32 v29  }
0x96: {  	v49 =	vsub.f32 v15, v7;
	(erf) = vpow2.f32 v47  }
0x97: {  	(erf) = vpow2.f32 v48  }
0x98: {  	v50 =	vsub.f32 v20, v7;
	v29 =	vmul.f32 $1.442695020e+00, v49;
	(erf) = vpow2.f32 v25  }
0x99: {  	v22 =	vmul.f32 v26, v22;
	v23 =	vadd.f32 v24, v23  }
0x9a: {  	v51 =	vpop (erf);
	v13 =	vadd.f32 v27, v13;
	v52 =	vmul.f32 $1.442695020e+00, v50;
	(erf) = vpow2.f32 v29  }
0x9b: {  	v12 =	vmul.f32 v19, v12;
	v11 =	vsub.f32 v11, v17;
	v55 =	vadd.f32 v22, v23;
	v53 =	vpop (erf)  }
0x9c: {  	v13 =	vadd.f32 v51, v13;
	v54 =	vpop (erf);
	(erf) = vpow2.f32 v52  }
0x9d: {  	v16 =	vsub.f32 v21, v16;
	v12 =	vadd.f32 v12, v55;
	v11 =	vmul.f32 v54, v11;
	v56 =	vpop (erf)  }
0x9e: {  	v18 =	vadd.f32 v19, v18;
	v13 =	vadd.f32 v53, v13;
	v57 =	vpop (erf)  }
0x9f: {  	v14 =	vsub.f32 v14, v15;
	v11 =	vadd.f32 v11, v12;
	v12 =	vmul.f32 v56, v16;
	v58 =	vpop (erf)  }
0xa0: {  	v59 =	vadd.f32 v54, v18;
	v15 =	vpop (erf);
	v13 =	vadd.f32 v58, v13  }
0xa1: {  	v10 =	vsub.f32 v10, v20;
	v14 =	vmul.f32 v57, v14;
	v11 =	vadd.f32 v12, v11;
	v60 =	vpop (erf)  }
0xa2: {  	v61 =	vadd.f32 v56, v59;
	v13 =	vadd.f32 v60, v13  }
0xa3: {  	v63 =	vmul.f32 v15, v10;
	v11 =	vadd.f32 v14, v11;
	v62 =	vpop (erf)  }
0xa4: {  	v12 =	vadd.f32 v62, v13;
	v13 =	vadd.f32 v57, v61  }
0xa5: {  	v10 =	vpop (erf);
	v11 =	vadd.f32 v63, v11  }
0xa6: {  	s17 =	simm.s32 $0x0;
	v10 =	vadd.f32 v10, v12;
	v12 =	vadd.f32 v15, v13  }
.LBB2_10:
0xa7: {  	s18 =	sshra.s32 s17, $0x2  }
0xa8: {  	v13 =	vld.idx.msk [tilespmem:v3+s18+$0x0 ss:$0x1], $0xffff;
	_ =	sdelay $0x3  }
0xa9: {  	v14 =	vld.idx.msk [tilespmem:v4+s18+$0x0 ss:$0x1], $0xffff  }
0xaa: {  	v13 =	vmul.f32 v13, v9;
	_ =	sdelay $0x1  }
0xab: {  	v15 =	vsub.f32 v13, v8;
	_ =	sdelay $0x1  }
0xac: {  	v16 =	vsub.f32 v14, v7;
	v15 =	vmul.f32 $1.442695020e+00, v15;
	_ =	sdelay $0x1  }
0xad: {  	(erf) = vpow2.f32 v15;
	v15 =	vmul.f32 $1.442695020e+00, v16;
	_ =	sdelay $0x1  }
0xae: {  	(erf) = vpow2.f32 v15;
	_ =	sdelay $0x4  }
0xaf: {  	p1 =	sne.s32 s17, $0x40  }
.Ltmp3:
0xb0: {  	v13 =	vsub.f32 v13, v14;
	(pc) =	sbr.rel @p1 .LBB2_10-.Ltmp3, $4  }
0xb1: {  	v14 =	vpop (erf)  }
0xb2: {  	v13 =	vmul.f32 v14, v13  }
0xb3: {  	v12 =	vadd.f32 v14, v12;
	v14 =	vpop (erf)  }
0xb4: {  	s17 =	sadd.s32 $0x40, s17;
	v11 =	vadd.f32 v13, v11;
	v10 =	vadd.f32 v14, v10  }
0xb5: {  	v3 =	vmul.f32 v9, v6;
	_ =	sdelay $0x1  }
0xb6: {  	v4 =	vsub.f32 v3, v8;
	_ =	sdelay $0x1  }
0xb7: {  	v4 =	vmul.f32 $1.442695020e+00, v4;
	_ =	sdelay $0x1  }
0xb8: {  	(erf) = vpow2.f32 v4;
	_ =	sdelay $0x8  }
0xb9: {  	v56 =	vsub.f32 v5, v7;
	v4 =	vpop (erf)  }
0xba: {  	v57 =	vsel vm0, $0x0, v4  }
0xbb: {  	v6 =	vmul.f32 $1.442695020e+00, v56;
	v9 =	vadd.f32 v12, v57;
	_ =	sdelay $0x1  }
0xbc: {  	(erf) = vpow2.f32 v6;
	(xrf2) =	vadd.scan.msk.f32 $0xffff, v9;
	_ =	sdelay $0x2  }
0xbd: {  	v3 =	vsub.f32 v3, v5;
	_ =	sdelay $0x1  }
0xbe: {  	v3 =	vmul.f32 v4, v3;
	_ =	sdelay $0x1  }
0xbf: {  	v3 =	vsel vm0, $0x0, v3  }
0xc0: {  	v3 =	vadd.f32 v11, v3  }
0xc1: {  	v58 =	vpop (erf)  }
0xc2: {  	v59, _, _ =	vpop (xrf2);
	(xrf2) =	vadd.scan.msk.f32 $0xffff, v3;
	v3 =	vsel vm0, $0x0, v58  }
0xc3: {  	v3 =	vadd.f32 v10, v3;
	v60 =	vadd.f32 $0.0e+00, v59;
	_ =	sdelay $0x1  }
0xc4: {  	(xrf2) =	vadd.scan.msk.f32 $0xffff, v3;
	v3 =	vbroadcast v60, $0xF;
	_ =	sdelay $0x1  }
0xc5: {  	(erf) = vrcp.f32 v3;
	_ =	sdelay $0x4  }
0xc6: {  	v3, _, _ =	vpop (xrf2)  }
0xc7: {  	v3 =	vadd.f32 $0.0e+00, v3;
	_ =	sdelay $0x1  }
0xc8: {  	v61, _, _ =	vpop (xrf2);
	v3 =	vbroadcast v3, $0xF  }
0xc9: {  	v62 =	vpop (erf)  }
0xca: {  	v63 =	vmov s16;
	s16 =	sadd.s32 $0x1, s16;
	v4 =	vadd.f32 $0.0e+00, v61;
	v3 =	vmul.f32 v62, v3  }
0xcb: {  	p1 =	sne.s32 s16, $0x10  }
.Ltmp4:
0xcc: {  	v4 =	vbroadcast v4, $0xF;
	v3 =	vsub.f32 v3, v8;
	(pc) =	sbr.rel @p1 .LBB2_3-.Ltmp4, $4  }
0xcd: {  	_ = 	snop  }
0xce: {  	v4 =	vmul.f32 v4, v62;
	v3 =	vadd.f32 v3, v7  }
0xcf: {  	vm1 =	veq.s32 v63, v0  }
0xd0: {  	v1 =	vsel vm1, v4, v1;
	v2 =	vsel vm1, v3, v2  }
0xd1: {  	[tilespmem:$0x8000] =	vst v2;
	s14 =	sshrl.u32 s14, $0x3  }
0xd2: {  	[tilespmem:$0x8080] =	vst v1;
	s15 =	sadd.s32 s5, s14  }
0xd3: {  	[hbm4b:s15+s1] =	stream.linear.scatter [tilespmem:s11], [sflag:$0x1], $0x10, $0x38;
	[tilespmem:$0x8100] =	vst v63  }
0xd4: {  	_ =	swait.ge [sflag:s9], $0x10  }
0xd5: {  	[sflag:s9] =	ssyncset.done $0x0  }
.Ltmp5:
0xd6: {  	s14 =	sadd.s32 s6, s14;
	[sflag:s9] =	ssyncadd.s32 $0xFFFFFFF0;
	(pc) =	sbr.rel @p0 .LBB2_2-.Ltmp5, $4  }
0xd7: {  	[hbm4b:s14+s1] =	stream.linear.scatter [tilespmem:s12], [sflag:$0x1], $0x10, $0x38;
	[tilespmem:$0x8100] =	vst v63  }
0xd8: {  	_ =	swait.ge [sflag:s9], $0x10  }
0xd9: {  	[sflag:s9] =	ssyncset.done $0x0  }
0xda: {  	p1 =	por $0x0, $0x0;
	s14 =	simm.s32 $0x10;
	[sflag:s9] =	ssyncadd.s32 $0xFFFFFFF0  }
0xdb: {  	s13 =	sadd.s32 $0x1, s13  }
0xdc: {  	p0 =	sne.s32 s13, s8  }
.Ltmp6:
0xdd: {  	_ = 	snop;
	(pc) =	sbr.rel @p0 .LBB2_1-.Ltmp6, $1  }
0xde: {  	_ =	sdelay $0x3  }
0xdf: {  	_ =	sfence.sel $0x180000  }
0xe0: {  	[bflag:$0x0] =	sbarrier.arrive $0xFFFF  }
0xe1: {  	p0 =	sne.s32 s2, $0x0;
	_ =	strace $0x90000047  }
0xe2: {  	s0 =	sadd.s32 @!p0 $0x100000, s0;
	[bflag:$0x2] =	sbarrier.arrive $0xFFFF  }
0xe3: {  	[sflag:s0] =	ssyncadd.tile.s32 @!p0 $0x1;
	_ =	shalt  }
.Lfunc_end2:
_tile_overlayer_lowered:
.L_overlay_start_2:
0xe4: {  	(tag) =	ssettag $0x2  }
0xe5: {  	s0 =	rddreg [dreg:$0x0];
	s2 =	stileid.u32  }
0xe6: {  	s1 =	rddreg [dreg:$0x1];
	p0 =	sne.s32 s2, $0x0  }
0xe7: {  	s3 =	rddreg [dreg:$0x2];
	[bflag:$0x3] =	sbarrier.arrive $0xFFFF;
	s2 =	simm.s32 @!p0 $0x1C01  }
0xe8: {  	[timem:s3], [sflag:s2] =	dma.local @!p0 [hbm:s0], s1  }
0xe9: {  	s0 =	simm.s32 @!p0 $0x1  }
0xea: {  	_ =	swait.ge @!p0 [sflag:s0], s1  }
0xeb: {  	s1 =	ssub.s32 @!p0 $0x0, s1;
	[sflag:s0] =	ssyncset.done @!p0 $0x0  }
0xec: {  	[sflag:s0] =	ssyncadd.s32 @!p0 s1  }
0xed: {  	[bflag:$0x3] =	sbarrier.arrive $0xFFFF  }
0xee: {  	_ =	shalt  }

</sc_bundles>
